<compile_context>
chip_gen: v7x
topology: tpu7x:2x2x1
jax: 0.10.2.dev20260603
libtpu: 0.0.44.dev20260713+nightly
codegen_flags: <defaults>
</compile_context>

<pallas_src>
import jax
import jax.numpy as jnp
from jax import lax
from jax.experimental import pallas as pl
from jax.experimental.pallas import tpu as pltpu
from jax.experimental.pallas import tpu_sc as plsc

N = 10000
E = 320000
D = 128
NC = 2
NS = 16
L = 16
NW = NC * NS
ESUB = 128

NPAD = 10240
RSTRIDE = NPAD // NS

EC = 128
NCHUNK = E // EC
KMAX = (NCHUNK + NW - 1) // NW
KMAX2 = (KMAX + 1) // 2

CC = 128
NCC = NPAD // CC
NFULL = N // CC
NREM = N - NFULL * CC
CKMAX = (NCC + NW - 1) // NW

_SC_MESH = dict(core_axis_name="c", subcore_axis_name="s",
                num_cores=NC, num_subcores=NS)


def _mm3_body(x_ref, w1_ref, b1_ref, w2_ref, b2_ref, ww_ref, bw_ref,
              g1_ref, g2_ref, gw_ref):
    x = x_ref[...]
    dn = (((1,), (1,)), ((), ()))
    g1_ref[...] = lax.dot_general(
        x, w1_ref[...], dn, preferred_element_type=jnp.float32) + b1_ref[...]
    g2_ref[...] = lax.dot_general(
        x, w2_ref[...], dn, preferred_element_type=jnp.float32) + b2_ref[...]
    gw_ref[...] = lax.dot_general(
        x, ww_ref[...], dn, preferred_element_type=jnp.float32) + bw_ref[...]


def _mm3(ace, W1, b1, W2, b2, Ww, bw):
    RB = 1000
    wspec = pl.BlockSpec((D, D), lambda i: (0, 0))
    bspec = pl.BlockSpec((1, D), lambda i: (0, 0))
    xspec = pl.BlockSpec((RB, D), lambda i: (i, 0))
    return pl.pallas_call(
        _mm3_body,
        grid=(N // RB,),
        in_specs=[xspec, wspec, bspec, wspec, bspec, wspec, bspec],
        out_specs=[xspec, xspec, xspec],
        out_shape=[jax.ShapeDtypeStruct((N, D), jnp.float32),
                   jax.ShapeDtypeStruct((N, D), jnp.float32),
                   jax.ShapeDtypeStruct((N, D), jnp.float32)],
    )(ace, W1, b1.reshape(1, D), W2, b2.reshape(1, D), Ww, bw.reshape(1, D))


def _edge_body(acew_hbm, pidx_hbm, ew_hbm, aggr_hbm, deg_hbm,
               acc, dacc, idxs0_v, idxs1_v, ew0_v, ew1_v, rows0_v, rows1_v,
               sem0, sem1):
    c = lax.axis_index("c")
    s = lax.axis_index("s")
    w = s * NC + c
    zero = jnp.zeros((L,), jnp.float32)

    def zrow(i, _):
        for j in range(D // L):
            rows0_v[i, pl.ds(j * L, L)] = zero
        return 0

    lax.fori_loop(0, EC, zrow, 0)
    r0 = s * RSTRIDE
    for off in range(0, RSTRIDE, EC):
        pltpu.sync_copy(rows0_v, acc.at[pl.ds(r0 + off, EC)])
    for off in range(0, RSTRIDE, D):
        pltpu.sync_copy(rows0_v.at[0], dacc.at[pl.ds(r0 + off, D)])
    plsc.subcore_barrier()

    def fetch(g, idxs_v, ew_v, rows_v, sem):
        pltpu.sync_copy(pidx_hbm.at[g], idxs_v)
        pltpu.sync_copy(ew_hbm.at[pl.ds(g * EC, EC)],
                        ew_v.at[pl.ds(0, EC)])
        pltpu.make_async_copy(acew_hbm.at[idxs_v.at[0]], rows_v, sem).start()

    def consume(idxs_v, ew_v, rows_v, sem):
        pltpu.make_async_copy(acew_hbm.at[idxs_v.at[0]], rows_v, sem).wait()

        def scale(i, _):
            wv = ew_v[pl.ds(i, L)]
            dv = jnp.full((L,), wv[0], jnp.float32)
            for j in range(D // L):
                sl = pl.ds(j * L, L)
                rows_v[i, sl] = rows_v[i, sl] * dv
            return 0

        lax.fori_loop(0, EC, scale, 0)
        pltpu.sync_copy(rows_v, acc.at[idxs_v.at[1]], add=True)
        pltpu.sync_copy(ew_v.at[pl.ds(0, EC)], dacc.at[idxs_v.at[1]],
                        add=True)

    fetch(w, idxs0_v, ew0_v, rows0_v, sem0)

    def chunk2(k2, _):
        ga = (2 * k2) * NW + w
        gb = ga + NW
        gc = gb + NW

        @pl.when(gb < NCHUNK)
        def _():
            fetch(gb, idxs1_v, ew1_v, rows1_v, sem1)

        @pl.when(ga < NCHUNK)
        def _():
            consume(idxs0_v, ew0_v, rows0_v, sem0)

        @pl.when(gc < NCHUNK)
        def _():
            fetch(gc, idxs0_v, ew0_v, rows0_v, sem0)

        @pl.when(gb < NCHUNK)
        def _():
            consume(idxs1_v, ew1_v, rows1_v, sem1)

        return 0

    lax.fori_loop(0, KMAX2, chunk2, 0)
    plsc.subcore_barrier()
    pltpu.sync_copy(acc.at[pl.ds(r0, RSTRIDE)],
                    aggr_hbm.at[c].at[pl.ds(r0, RSTRIDE)])
    pltpu.sync_copy(dacc.at[pl.ds(r0, RSTRIDE)],
                    deg_hbm.at[pl.ds(c * NPAD + r0, RSTRIDE)])


def _edge_kernel(acew, pidx, ew):
    mesh = plsc.VectorSubcoreMesh(**_SC_MESH)
    run = pl.kernel(
        _edge_body, mesh=mesh,
        out_type=[jax.ShapeDtypeStruct((NC, NPAD, D), jnp.float32),
                  jax.ShapeDtypeStruct((NC * NPAD,), jnp.float32)],
        scratch_types=[
            pltpu.MemorySpace.VMEM_SHARED((NPAD, D), jnp.float32),
            pltpu.MemorySpace.VMEM_SHARED((NPAD,), jnp.float32),
            pltpu.MemorySpace.VMEM((2, ESUB), jnp.int32),
            pltpu.MemorySpace.VMEM((2, ESUB), jnp.int32),
            pltpu.MemorySpace.VMEM((EC + L,), jnp.float32),
            pltpu.MemorySpace.VMEM((EC + L,), jnp.float32),
            pltpu.MemorySpace.VMEM((EC, D), jnp.float32),
            pltpu.MemorySpace.VMEM((EC, D), jnp.float32),
            pltpu.SemaphoreType.DMA,
            pltpu.SemaphoreType.DMA,
        ],
    )
    return run(acew, pidx, ew)


def _combine_body(g1_hbm, g2_hbm, vn_hbm, aggr_hbm, deg_hbm, out_hbm,
                  vn_v, h1_v, h2_v, a0_v, a1_v, d0_v, d1_v, out_v, sem):
    c = lax.axis_index("c")
    s = lax.axis_index("s")
    w = s * NC + c

    def chunk(k, _):
        cid = k * NW + w

        @pl.when(cid < NCC)
        def _():
            r0 = cid * CC
            pltpu.sync_copy(vn_hbm.at[pl.ds(r0, CC)], vn_v)
            dsc1 = pltpu.async_copy(g1_hbm.at[vn_v], h1_v, sem)
            dsc2 = pltpu.async_copy(g2_hbm.at[vn_v], h2_v, sem)
            dsc1.wait()
            dsc2.wait()
            pltpu.sync_copy(aggr_hbm.at[0].at[pl.ds(r0, CC)], a0_v)
            pltpu.sync_copy(aggr_hbm.at[1].at[pl.ds(r0, CC)], a1_v)
            pltpu.sync_copy(deg_hbm.at[pl.ds(r0, CC)],
                            d0_v.at[pl.ds(0, CC)])
            pltpu.sync_copy(deg_hbm.at[pl.ds(NPAD + r0, CC)],
                            d1_v.at[pl.ds(0, CC)])

            def row(i, _):
                d0 = d0_v[pl.ds(i, L)]
                d1 = d1_v[pl.ds(i, L)]
                dv = jnp.full((L,), d0[0] + d1[0], jnp.float32)
                for j in range(D // L):
                    sl = pl.ds(j * L, L)
                    out_v[i, sl] = (dv * h1_v[i, sl]
                                    + (a0_v[i, sl] + a1_v[i, sl]
                                       + h2_v[i, sl]))
                return 0

            lax.fori_loop(0, CC, row, 0)

            @pl.when(cid < NFULL)
            def _():
                pltpu.sync_copy(out_v, out_hbm.at[pl.ds(r0, CC)])

            @pl.when(cid == NFULL)
            def _():
                pltpu.sync_copy(out_v.at[pl.ds(0, NREM)],
                                out_hbm.at[pl.ds(r0, NREM)])
        return 0

    lax.fori_loop(0, CKMAX, chunk, 0)


def _combine_kernel(g1, g2, vn, aggr, deg):
    mesh = plsc.VectorSubcoreMesh(**_SC_MESH)
    run = pl.kernel(
        _combine_body, mesh=mesh,
        out_type=jax.ShapeDtypeStruct((N, D), jnp.float32),
        scratch_types=[
            pltpu.MemorySpace.VMEM((CC,), jnp.int32),
            pltpu.MemorySpace.VMEM((CC, D), jnp.float32),
            pltpu.MemorySpace.VMEM((CC, D), jnp.float32),
            pltpu.MemorySpace.VMEM((CC, D), jnp.float32),
            pltpu.MemorySpace.VMEM((CC, D), jnp.float32),
            pltpu.MemorySpace.VMEM((CC + L,), jnp.float32),
            pltpu.MemorySpace.VMEM((CC + L,), jnp.float32),
            pltpu.MemorySpace.VMEM((CC, D), jnp.float32),
            pltpu.SemaphoreType.DMA,
        ],
    )
    return run(g1, g2, vn, aggr, deg)


def kernel(all_community_embeddings, memory, valid_nodes, index, index1,
           neighbors_unique, index_noself, index1_noself,
           neighbors_unique_noself, edge_weight, W1, b1, W2, b2, Ww, bw):
    del memory, index, index_noself, index1_noself, neighbors_unique_noself
    g1, g2, acew = _mm3(all_community_embeddings, W1, b1, W2, b2, Ww, bw)
    pidx = jnp.stack([neighbors_unique.astype(jnp.int32).reshape(NCHUNK, EC),
                      index1.astype(jnp.int32).reshape(NCHUNK, EC)], axis=1)
    aggr, deg = _edge_kernel(acew, pidx, edge_weight)
    vnp = jnp.pad(valid_nodes.astype(jnp.int32), (0, NPAD - N))
    return _combine_kernel(g1, g2, vnp, aggr, deg)

# --- scband reference (transcript-rebuilt; emitter-appended) ---
"""Pipeline reference for scband-community-calculator-44899588112477 (READ-ONLY COPY).

The authoritative reference and input builder live on the scoring server;
editing this copy changes nothing except your own understanding.
"""

import jax, jax.numpy as jnp
import numpy as np

N = 10000
E = 320000
D = 128

def setup_inputs(seed: int = 0) -> dict:
    key = jax.random.key(seed)
    ks = jax.random.split(key, 11)
    all_community_embeddings = jax.random.normal(ks[0], (N, D), dtype=jnp.float32)
    memory = jax.random.normal(ks[1], (N, D), dtype=jnp.float32)
    valid_nodes = jax.random.randint(ks[2], (N,), 0, N)
    index = jax.random.randint(ks[3], (E,), 0, N)
    index1 = jnp.sort(jax.random.randint(ks[4], (E,), 0, N))
    neighbors_unique = jax.random.randint(ks[5], (E,), 0, N)
    index_noself = jax.random.randint(ks[6], (E,), 0, N)
    index1_noself = jnp.sort(jax.random.randint(ks[7], (E,), 0, N))
    neighbors_unique_noself = jax.random.randint(ks[8], (E,), 0, N)
    edge_weight = jax.random.uniform(ks[9], (E,), dtype=jnp.float32)
    kw = jax.random.split(ks[10], 6)
    s = 1.0 / np.sqrt(D)
    W1 = jax.random.uniform(kw[0], (D, D), minval=-s, maxval=s, dtype=jnp.float32)
    b1 = jax.random.uniform(kw[1], (D,), minval=-s, maxval=s, dtype=jnp.float32)
    W2 = jax.random.uniform(kw[2], (D, D), minval=-s, maxval=s, dtype=jnp.float32)
    b2 = jax.random.uniform(kw[3], (D,), minval=-s, maxval=s, dtype=jnp.float32)
    Ww = jax.random.uniform(kw[4], (D, D), minval=-s, maxval=s, dtype=jnp.float32)
    bw = jax.random.uniform(kw[5], (D,), minval=-s, maxval=s, dtype=jnp.float32)
    return {
        "all_community_embeddings": all_community_embeddings,
        "memory": memory,
        "valid_nodes": valid_nodes,
        "index": index,
        "index1": index1,
        "neighbors_unique": neighbors_unique,
        "index_noself": index_noself,
        "index1_noself": index1_noself,
        "neighbors_unique_noself": neighbors_unique_noself,
        "edge_weight": edge_weight,
        "W1": W1, "b1": b1, "W2": W2, "b2": b2, "Ww": Ww, "bw": bw,
    }

def reference(all_community_embeddings, memory, valid_nodes, index, index1,
              neighbors_unique, index_noself, index1_noself, neighbors_unique_noself,
              edge_weight, W1, b1, W2, b2, Ww, bw):
    V = valid_nodes.shape[0]
    # all_community_embeddings_weight = self.weight(all_community_embeddings)
    ace_w = all_community_embeddings @ Ww.T + bw
    # deg = scatter_add(edge_weight, index1, dim=0)
    deg = jax.ops.segment_sum(edge_weight, index1, num_segments=V)
    # aggr_out = scatter_add(edge_weight.view(-1,1) * ace_w[neighbors_unique], index1, dim=0)
    aggr_out = jax.ops.segment_sum(edge_weight[:, None] * ace_w[neighbors_unique], index1, num_segments=V)
    nodes_community_embeddings = all_community_embeddings[valid_nodes]
    lenv_score = (deg[:, None] * (nodes_community_embeddings @ W1.T + b1)
                  + aggr_out
                  + (nodes_community_embeddings @ W2.T + b2))
    return lenv_score

if __name__ == "__main__":
    import jax
    _d = setup_inputs()
    print(jax.jit(kernel)(*tuple(_d.values())))

</pallas_src>

<mosaic_0001>
#map = affine_map<(d0, d1) -> (0, 0)>
#map1 = affine_map<(d0, d1) -> (0, 0, 0)>
#map2 = affine_map<(d0, d1) -> (0)>
module attributes {stable_mosaic.version = 14 : i64} {
  func.func @_edge_body(%arg0: i32, %arg1: i32, %arg2: memref<10000x128xf32, #tpu.memory_space<hbm>>, %arg3: memref<2500x2x128xi32, #tpu.memory_space<hbm>>, %arg4: memref<320000xf32, #tpu.memory_space<hbm>>, %arg5: memref<2x10240x128xf32, #tpu.memory_space<hbm>>, %arg6: memref<20480xf32, #tpu.memory_space<hbm>>, %arg7: memref<10240x128xf32, #tpu.memory_space<vmem_shared>>, %arg8: memref<10240xf32, #tpu.memory_space<vmem_shared>>, %arg9: memref<2x128xi32, #tpu.memory_space<vmem>>, %arg10: memref<2x128xi32, #tpu.memory_space<vmem>>, %arg11: memref<144xf32, #tpu.memory_space<vmem>>, %arg12: memref<144xf32, #tpu.memory_space<vmem>>, %arg13: memref<128x128xf32, #tpu.memory_space<vmem>>, %arg14: memref<128x128xf32, #tpu.memory_space<vmem>>, %arg15: memref<!tpu.dma_semaphore, #tpu.memory_space<semaphore_mem>>, %arg16: memref<!tpu.dma_semaphore, #tpu.memory_space<semaphore_mem>>) attributes {dimension_semantics = [#tpu.dimension_semantics<core_parallel>, #tpu.dimension_semantics<subcore_parallel>], iteration_bounds = array<i64: 2, 16>, scalar_prefetch = 0 : i64, scratch_operands = 10 : i64, tpu.core_type = #tpu.core_type<sc_vector_subcore>, window_params = [{transform_indices = #map}, {transform_indices = #map1}, {transform_indices = #map2}, {transform_indices = #map1}, {transform_indices = #map2}]} {
    %mul3A = arith.constant 2 : i32
    %mul3A_0 = arith.muli %arg1, %mul3A : i32
    %add3A = arith.addi %mul3A_0, %arg0 : i32
    %broadcast_in_dim3A = arith.constant 0.000000e+00 : f32
    %broadcast_in_dim3A_1 = vector.broadcast %broadcast_in_dim3A : f32 to vector<16xf32>
    %scan3A = arith.constant 0 : i32
    %scan3A_2 = arith.constant 0 : i32
    %scan3A_3 = arith.constant 128 : i32
    %scan3A_4 = arith.addi %scan3A_2, %scan3A_3 : i32
    %scan3A_5 = arith.constant 1 : i32
    %scan3A_6 = scf.for %scan3A_53 = %scan3A_2 to %scan3A_4 step %scan3A_5 iter_args(%scan3A_54 = %scan3A) -> (i32)  : i32 {
      %swap3A = arith.index_cast %scan3A_53 : i32 to index
      %swap3A_55 = arith.constant 0 : index
      %swap3A_56 = tpu.vector_load %arg13[%swap3A, %swap3A_55] {strides = array<i32>} : memref<128x128xf32, #tpu.memory_space<vmem>>, vector<1x16xf32>,
      %swap3A_57 = vector.shape_cast %swap3A_56 : vector<1x16xf32> to vector<16xf32>
      %swap3A_58 = vector.shape_cast %broadcast_in_dim3A_1 : vector<16xf32> to vector<1x16xf32>
      tpu.vector_store %arg13[%swap3A, %swap3A_55], %swap3A_58 {strides = array<i32>} : memref<128x128xf32, #tpu.memory_space<vmem>>, vector<1x16xf32>,
      %swap3A_59 = arith.index_cast %scan3A_53 : i32 to index
      %swap3A_60 = arith.constant 16 : index
      %swap3A_61 = tpu.vector_load %arg13[%swap3A_59, %swap3A_60] {strides = array<i32>} : memref<128x128xf32, #tpu.memory_space<vmem>>, vector<1x16xf32>,
      %swap3A_62 = vector.shape_cast %swap3A_61 : vector<1x16xf32> to vector<16xf32>
      %swap3A_63 = vector.shape_cast %broadcast_in_dim3A_1 : vector<16xf32> to vector<1x16xf32>
      tpu.vector_store %arg13[%swap3A_59, %swap3A_60], %swap3A_63 {strides = array<i32>} : memref<128x128xf32, #tpu.memory_space<vmem>>, vector<1x16xf32>,
      %swap3A_64 = arith.index_cast %scan3A_53 : i32 to index
      %swap3A_65 = arith.constant 32 : index
      %swap3A_66 = tpu.vector_load %arg13[%swap3A_64, %swap3A_65] {strides = array<i32>} : memref<128x128xf32, #tpu.memory_space<vmem>>, vector<1x16xf32>,
      %swap3A_67 = vector.shape_cast %swap3A_66 : vector<1x16xf32> to vector<16xf32>
      %swap3A_68 = vector.shape_cast %broadcast_in_dim3A_1 : vector<16xf32> to vector<1x16xf32>
      tpu.vector_store %arg13[%swap3A_64, %swap3A_65], %swap3A_68 {strides = array<i32>} : memref<128x128xf32, #tpu.memory_space<vmem>>, vector<1x16xf32>,
      %swap3A_69 = arith.index_cast %scan3A_53 : i32 to index
      %swap3A_70 = arith.constant 48 : index
      %swap3A_71 = tpu.vector_load %arg13[%swap3A_69, %swap3A_70] {strides = array<i32>} : memref<128x128xf32, #tpu.memory_space<vmem>>, vector<1x16xf32>,
      %swap3A_72 = vector.shape_cast %swap3A_71 : vector<1x16xf32> to vector<16xf32>
      %swap3A_73 = vector.shape_cast %broadcast_in_dim3A_1 : vector<16xf32> to vector<1x16xf32>
      tpu.vector_store %arg13[%swap3A_69, %swap3A_70], %swap3A_73 {strides = array<i32>} : memref<128x128xf32, #tpu.memory_space<vmem>>, vector<1x16xf32>,
      %swap3A_74 = arith.index_cast %scan3A_53 : i32 to index
      %swap3A_75 = arith.constant 64 : index
      %swap3A_76 = tpu.vector_load %arg13[%swap3A_74, %swap3A_75] {strides = array<i32>} : memref<128x128xf32, #tpu.memory_space<vmem>>, vector<1x16xf32>,
      %swap3A_77 = vector.shape_cast %swap3A_76 : vector<1x16xf32> to vector<16xf32>
      %swap3A_78 = vector.shape_cast %broadcast_in_dim3A_1 : vector<16xf32> to vector<1x16xf32>
      tpu.vector_store %arg13[%swap3A_74, %swap3A_75], %swap3A_78 {strides = array<i32>} : memref<128x128xf32, #tpu.memory_space<vmem>>, vector<1x16xf32>,
      %swap3A_79 = arith.index_cast %scan3A_53 : i32 to index
      %swap3A_80 = arith.constant 80 : index
      %swap3A_81 = tpu.vector_load %arg13[%swap3A_79, %swap3A_80] {strides = array<i32>} : memref<128x128xf32, #tpu.memory_space<vmem>>, vector<1x16xf32>,
      %swap3A_82 = vector.shape_cast %swap3A_81 : vector<1x16xf32> to vector<16xf32>
      %swap3A_83 = vector.shape_cast %broadcast_in_dim3A_1 : vector<16xf32> to vector<1x16xf32>
      tpu.vector_store %arg13[%swap3A_79, %swap3A_80], %swap3A_83 {strides = array<i32>} : memref<128x128xf32, #tpu.memory_space<vmem>>, vector<1x16xf32>,
      %swap3A_84 = arith.index_cast %scan3A_53 : i32 to index
      %swap3A_85 = arith.constant 96 : index
      %swap3A_86 = tpu.vector_load %arg13[%swap3A_84, %swap3A_85] {strides = array<i32>} : memref<128x128xf32, #tpu.memory_space<vmem>>, vector<1x16xf32>,
      %swap3A_87 = vector.shape_cast %swap3A_86 : vector<1x16xf32> to vector<16xf32>
      %swap3A_88 = vector.shape_cast %broadcast_in_dim3A_1 : vector<16xf32> to vector<1x16xf32>
      tpu.vector_store %arg13[%swap3A_84, %swap3A_85], %swap3A_88 {strides = array<i32>} : memref<128x128xf32, #tpu.memory_space<vmem>>, vector<1x16xf32>,
      %swap3A_89 = arith.index_cast %scan3A_53 : i32 to index
      %swap3A_90 = arith.constant 112 : index
      %swap3A_91 = tpu.vector_load %arg13[%swap3A_89, %swap3A_90] {strides = array<i32>} : memref<128x128xf32, #tpu.memory_space<vmem>>, vector<1x16xf32>,
      %swap3A_92 = vector.shape_cast %swap3A_91 : vector<1x16xf32> to vector<16xf32>
      %swap3A_93 = vector.shape_cast %broadcast_in_dim3A_1 : vector<16xf32> to vector<1x16xf32>
      tpu.vector_store %arg13[%swap3A_89, %swap3A_90], %swap3A_93 {strides = array<i32>} : memref<128x128xf32, #tpu.memory_space<vmem>>, vector<1x16xf32>,
      %scan3A_94 = arith.constant 0 : i32
      scf.yield %scan3A_94 : i32
    }
    %scan3A_7 = arith.constant 128 : i32
    %mul3A_8 = arith.constant 640 : i32
    %mul3A_9 = arith.muli %arg1, %mul3A_8 : i32
    %add3A_10 = arith.constant 0 : i32
    %add3A_11 = arith.addi %mul3A_9, %add3A_10 : i32
    "tpu.region"() ({
      %run_scoped3A_53 = tpu.sem_alloc : memref<!tpu.dma_semaphore, #tpu.memory_space<semaphore_mem>>
      %dma_start3A_54 = arith.constant 0 : i32
      %dma_start3A_55 = tpu.memref_slice %arg7[%add3A_11, %dma_start3A_54] : memref<10240x128xf32, #tpu.memory_space<vmem_shared>> -> memref<128x128xf32, #tpu.memory_space<vmem_shared>>
      %dma_start3A_56 = arith.constant 0 : i32
      %dma_start3A_57 = tpu.memref_slice %arg7[%add3A_11, %dma_start3A_56] : memref<10240x128xf32, #tpu.memory_space<vmem_shared>> -> memref<128x128xf32, #tpu.memory_space<vmem_shared>>
      tpu.enqueue_dma source(%arg13 : memref<128x128xf32, #tpu.memory_space<vmem>>) target(%dma_start3A_57 : memref<128x128xf32, #tpu.memory_space<vmem_shared>>) target_semaphore(%run_scoped3A_53 : memref<!tpu.dma_semaphore, #tpu.memory_space<semaphore_mem>>)
      %dma_wait3A = arith.constant 0 : i32
      %dma_wait3A_58 = tpu.memref_slice %arg7[%add3A_11, %dma_wait3A] : memref<10240x128xf32, #tpu.memory_space<vmem_shared>> -> memref<128x128xf32, #tpu.memory_space<vmem_shared>>
      %dma_wait3A_59 = arith.constant 0 : i32
      %dma_wait3A_60 = tpu.memref_slice %arg7[%add3A_11, %dma_wait3A_59] : memref<10240x128xf32, #tpu.memory_space<vmem_shared>> -> memref<128x128xf32, #tpu.memory_space<vmem_shared>>
      tpu.wait_dma2 semaphore(%run_scoped3A_53 : memref<!tpu.dma_semaphore, #tpu.memory_space<semaphore_mem>>) src(%arg13 : memref<128x128xf32, #tpu.memory_space<vmem>>) dst(%dma_wait3A_60 : memref<128x128xf32, #tpu.memory_space<vmem_shared>>)
      tpu.yield
    }) : () -> ()
    %add3A_12 = arith.constant 128 : i32
    %add3A_13 = arith.addi %mul3A_9, %add3A_12 : i32
    "tpu.region"() ({
      %run_scoped3A_53 = tpu.sem_alloc : memref<!tpu.dma_semaphore, #tpu.memory_space<semaphore_mem>>
      %dma_start3A_54 = arith.constant 0 : i32
      %dma_start3A_55 = tpu.memref_slice %arg7[%add3A_13, %dma_start3A_54] : memref<10240x128xf32, #tpu.memory_space<vmem_shared>> -> memref<128x128xf32, #tpu.memory_space<vmem_shared>>
      %dma_start3A_56 = arith.constant 0 : i32
      %dma_start3A_57 = tpu.memref_slice %arg7[%add3A_13, %dma_start3A_56] : memref<10240x128xf32, #tpu.memory_space<vmem_shared>> -> memref<128x128xf32, #tpu.memory_space<vmem_shared>>
      tpu.enqueue_dma source(%arg13 : memref<128x128xf32, #tpu.memory_space<vmem>>) target(%dma_start3A_57 : memref<128x128xf32, #tpu.memory_space<vmem_shared>>) target_semaphore(%run_scoped3A_53 : memref<!tpu.dma_semaphore, #tpu.memory_space<semaphore_mem>>)
      %dma_wait3A = arith.constant 0 : i32
      %dma_wait3A_58 = tpu.memref_slice %arg7[%add3A_13, %dma_wait3A] : memref<10240x128xf32, #tpu.memory_space<vmem_shared>> -> memref<128x128xf32, #tpu.memory_space<vmem_shared>>
      %dma_wait3A_59 = arith.constant 0 : i32
      %dma_wait3A_60 = tpu.memref_slice %arg7[%add3A_13, %dma_wait3A_59] : memref<10240x128xf32, #tpu.memory_space<vmem_shared>> -> memref<128x128xf32, #tpu.memory_space<vmem_shared>>
      tpu.wait_dma2 semaphore(%run_scoped3A_53 : memref<!tpu.dma_semaphore, #tpu.memory_space<semaphore_mem>>) src(%arg13 : memref<128x128xf32, #tpu.memory_space<vmem>>) dst(%dma_wait3A_60 : memref<128x128xf32, #tpu.memory_space<vmem_shared>>)
      tpu.yield
    }) : () -> ()
    %add3A_14 = arith.constant 256 : i32
    %add3A_15 = arith.addi %mul3A_9, %add3A_14 : i32
    "tpu.region"() ({
      %run_scoped3A_53 = tpu.sem_alloc : memref<!tpu.dma_semaphore, #tpu.memory_space<semaphore_mem>>
      %dma_start3A_54 = arith.constant 0 : i32
      %dma_start3A_55 = tpu.memref_slice %arg7[%add3A_15, %dma_start3A_54] : memref<10240x128xf32, #tpu.memory_space<vmem_shared>> -> memref<128x128xf32, #tpu.memory_space<vmem_shared>>
      %dma_start3A_56 = arith.constant 0 : i32
      %dma_start3A_57 = tpu.memref_slice %arg7[%add3A_15, %dma_start3A_56] : memref<10240x128xf32, #tpu.memory_space<vmem_shared>> -> memref<128x128xf32, #tpu.memory_space<vmem_shared>>
      tpu.enqueue_dma source(%arg13 : memref<128x128xf32, #tpu.memory_space<vmem>>) target(%dma_start3A_57 : memref<128x128xf32, #tpu.memory_space<vmem_shared>>) target_semaphore(%run_scoped3A_53 : memref<!tpu.dma_semaphore, #tpu.memory_space<semaphore_mem>>)
      %dma_wait3A = arith.constant 0 : i32
      %dma_wait3A_58 = tpu.memref_slice %arg7[%add3A_15, %dma_wait3A] : memref<10240x128xf32, #tpu.memory_space<vmem_shared>> -> memref<128x128xf32, #tpu.memory_space<vmem_shared>>
      %dma_wait3A_59 = arith.constant 0 : i32
      %dma_wait3A_60 = tpu.memref_slice %arg7[%add3A_15, %dma_wait3A_59] : memref<10240x128xf32, #tpu.memory_space<vmem_shared>> -> memref<128x128xf32, #tpu.memory_space<vmem_shared>>
      tpu.wait_dma2 semaphore(%run_scoped3A_53 : memref<!tpu.dma_semaphore, #tpu.memory_space<semaphore_mem>>) src(%arg13 : memref<128x128xf32, #tpu.memory_space<vmem>>) dst(%dma_wait3A_60 : memref<128x128xf32, #tpu.memory_space<vmem_shared>>)
      tpu.yield
    }) : () -> ()
    %add3A_16 = arith.constant 384 : i32
    %add3A_17 = arith.addi %mul3A_9, %add3A_16 : i32
    "tpu.region"() ({
      %run_scoped3A_53 = tpu.sem_alloc : memref<!tpu.dma_semaphore, #tpu.memory_space<semaphore_mem>>
      %dma_start3A_54 = arith.constant 0 : i32
      %dma_start3A_55 = tpu.memref_slice %arg7[%add3A_17, %dma_start3A_54] : memref<10240x128xf32, #tpu.memory_space<vmem_shared>> -> memref<128x128xf32, #tpu.memory_space<vmem_shared>>
      %dma_start3A_56 = arith.constant 0 : i32
      %dma_start3A_57 = tpu.memref_slice %arg7[%add3A_17, %dma_start3A_56] : memref<10240x128xf32, #tpu.memory_space<vmem_shared>> -> memref<128x128xf32, #tpu.memory_space<vmem_shared>>
      tpu.enqueue_dma source(%arg13 : memref<128x128xf32, #tpu.memory_space<vmem>>) target(%dma_start3A_57 : memref<128x128xf32, #tpu.memory_space<vmem_shared>>) target_semaphore(%run_scoped3A_53 : memref<!tpu.dma_semaphore, #tpu.memory_space<semaphore_mem>>)
      %dma_wait3A = arith.constant 0 : i32
      %dma_wait3A_58 = tpu.memref_slice %arg7[%add3A_17, %dma_wait3A] : memref<10240x128xf32, #tpu.memory_space<vmem_shared>> -> memref<128x128xf32, #tpu.memory_space<vmem_shared>>
      %dma_wait3A_59 = arith.constant 0 : i32
      %dma_wait3A_60 = tpu.memref_slice %arg7[%add3A_17, %dma_wait3A_59] : memref<10240x128xf32, #tpu.memory_space<vmem_shared>> -> memref<128x128xf32, #tpu.memory_space<vmem_shared>>
      tpu.wait_dma2 semaphore(%run_scoped3A_53 : memref<!tpu.dma_semaphore, #tpu.memory_space<semaphore_mem>>) src(%arg13 : memref<128x128xf32, #tpu.memory_space<vmem>>) dst(%dma_wait3A_60 : memref<128x128xf32, #tpu.memory_space<vmem_shared>>)
      tpu.yield
    }) : () -> ()
    %add3A_18 = arith.constant 512 : i32
    %add3A_19 = arith.addi %mul3A_9, %add3A_18 : i32
    "tpu.region"() ({
      %run_scoped3A_53 = tpu.sem_alloc : memref<!tpu.dma_semaphore, #tpu.memory_space<semaphore_mem>>
      %dma_start3A_54 = arith.constant 0 : i32
      %dma_start3A_55 = tpu.memref_slice %arg7[%add3A_19, %dma_start3A_54] : memref<10240x128xf32, #tpu.memory_space<vmem_shared>> -> memref<128x128xf32, #tpu.memory_space<vmem_shared>>
      %dma_start3A_56 = arith.constant 0 : i32
      %dma_start3A_57 = tpu.memref_slice %arg7[%add3A_19, %dma_start3A_56] : memref<10240x128xf32, #tpu.memory_space<vmem_shared>> -> memref<128x128xf32, #tpu.memory_space<vmem_shared>>
      tpu.enqueue_dma source(%arg13 : memref<128x128xf32, #tpu.memory_space<vmem>>) target(%dma_start3A_57 : memref<128x128xf32, #tpu.memory_space<vmem_shared>>) target_semaphore(%run_scoped3A_53 : memref<!tpu.dma_semaphore, #tpu.memory_space<semaphore_mem>>)
      %dma_wait3A = arith.constant 0 : i32
      %dma_wait3A_58 = tpu.memref_slice %arg7[%add3A_19, %dma_wait3A] : memref<10240x128xf32, #tpu.memory_space<vmem_shared>> -> memref<128x128xf32, #tpu.memory_space<vmem_shared>>
      %dma_wait3A_59 = arith.constant 0 : i32
      %dma_wait3A_60 = tpu.memref_slice %arg7[%add3A_19, %dma_wait3A_59] : memref<10240x128xf32, #tpu.memory_space<vmem_shared>> -> memref<128x128xf32, #tpu.memory_space<vmem_shared>>
      tpu.wait_dma2 semaphore(%run_scoped3A_53 : memref<!tpu.dma_semaphore, #tpu.memory_space<semaphore_mem>>) src(%arg13 : memref<128x128xf32, #tpu.memory_space<vmem>>) dst(%dma_wait3A_60 : memref<128x128xf32, #tpu.memory_space<vmem_shared>>)
      tpu.yield
    }) : () -> ()
    %add3A_20 = arith.constant 0 : i32
    %add3A_21 = arith.addi %mul3A_9, %add3A_20 : i32
    %run_scoped3A = arith.constant 0 : i32
    "tpu.region"() ({
      %run_scoped3A_53 = tpu.sem_alloc : memref<!tpu.dma_semaphore, #tpu.memory_space<semaphore_mem>>
      %dma_start3A_54 = arith.constant 0 : i32
      %dma_start3A_55 = tpu.memref_slice %arg13[%run_scoped3A, %dma_start3A_54] : memref<128x128xf32, #tpu.memory_space<vmem>> -> memref<1x128xf32, #tpu.memory_space<vmem>>
      %dma_start3A_56 = tpu.memref_squeeze %dma_start3A_55 : memref<1x128xf32, #tpu.memory_space<vmem>> -> memref<128xf32, #tpu.memory_space<vmem>>
      %dma_start3A_57 = tpu.memref_slice %arg8[%add3A_21] : memref<10240xf32, #tpu.memory_space<vmem_shared>> -> memref<128xf32, #tpu.memory_space<vmem_shared>>
      %dma_start3A_58 = tpu.memref_slice %arg8[%add3A_21] : memref<10240xf32, #tpu.memory_space<vmem_shared>> -> memref<128xf32, #tpu.memory_space<vmem_shared>>
      %dma_start3A_59 = arith.constant 0 : i32
      %dma_start3A_60 = tpu.memref_slice %arg13[%run_scoped3A, %dma_start3A_59] : memref<128x128xf32, #tpu.memory_space<vmem>> -> memref<1x128xf32, #tpu.memory_space<vmem>>
      %dma_start3A_61 = tpu.memref_squeeze %dma_start3A_60 : memref<1x128xf32, #tpu.memory_space<vmem>> -> memref<128xf32, #tpu.memory_space<vmem>>
      tpu.enqueue_dma source(%dma_start3A_61 : memref<128xf32, #tpu.memory_space<vmem>>) target(%dma_start3A_58 : memref<128xf32, #tpu.memory_space<vmem_shared>>) target_semaphore(%run_scoped3A_53 : memref<!tpu.dma_semaphore, #tpu.memory_space<semaphore_mem>>)
      %dma_wait3A = arith.constant 0 : i32
      %dma_wait3A_62 = tpu.memref_slice %arg13[%run_scoped3A, %dma_wait3A] : memref<128x128xf32, #tpu.memory_space<vmem>> -> memref<1x128xf32, #tpu.memory_space<vmem>>
      %dma_wait3A_63 = tpu.memref_squeeze %dma_wait3A_62 : memref<1x128xf32, #tpu.memory_space<vmem>> -> memref<128xf32, #tpu.memory_space<vmem>>
      %dma_wait3A_64 = tpu.memref_slice %arg8[%add3A_21] : memref<10240xf32, #tpu.memory_space<vmem_shared>> -> memref<128xf32, #tpu.memory_space<vmem_shared>>
      %dma_wait3A_65 = tpu.memref_slice %arg8[%add3A_21] : memref<10240xf32, #tpu.memory_space<vmem_shared>> -> memref<128xf32, #tpu.memory_space<vmem_shared>>
      %dma_wait3A_66 = arith.constant 0 : i32
      %dma_wait3A_67 = tpu.memref_slice %arg13[%run_scoped3A, %dma_wait3A_66] : memref<128x128xf32, #tpu.memory_space<vmem>> -> memref<1x128xf32, #tpu.memory_space<vmem>>
      %dma_wait3A_68 = tpu.memref_squeeze %dma_wait3A_67 : memref<1x128xf32, #tpu.memory_space<vmem>> -> memref<128xf32, #tpu.memory_space<vmem>>
      tpu.wait_dma2 semaphore(%run_scoped3A_53 : memref<!tpu.dma_semaphore, #tpu.memory_space<semaphore_mem>>) src(%dma_wait3A_68 : memref<128xf32, #tpu.memory_space<vmem>>) dst(%dma_wait3A_65 : memref<128xf32, #tpu.memory_space<vmem_shared>>)
      tpu.yield
    }) : () -> ()
    %add3A_22 = arith.constant 128 : i32
    %add3A_23 = arith.addi %mul3A_9, %add3A_22 : i32
    %run_scoped3A_24 = arith.constant 0 : i32
    "tpu.region"() ({
      %run_scoped3A_53 = tpu.sem_alloc : memref<!tpu.dma_semaphore, #tpu.memory_space<semaphore_mem>>
      %dma_start3A_54 = arith.constant 0 : i32
      %dma_start3A_55 = tpu.memref_slice %arg13[%run_scoped3A_24, %dma_start3A_54] : memref<128x128xf32, #tpu.memory_space<vmem>> -> memref<1x128xf32, #tpu.memory_space<vmem>>
      %dma_start3A_56 = tpu.memref_squeeze %dma_start3A_55 : memref<1x128xf32, #tpu.memory_space<vmem>> -> memref<128xf32, #tpu.memory_space<vmem>>
      %dma_start3A_57 = tpu.memref_slice %arg8[%add3A_23] : memref<10240xf32, #tpu.memory_space<vmem_shared>> -> memref<128xf32, #tpu.memory_space<vmem_shared>>
      %dma_start3A_58 = tpu.memref_slice %arg8[%add3A_23] : memref<10240xf32, #tpu.memory_space<vmem_shared>> -> memref<128xf32, #tpu.memory_space<vmem_shared>>
      %dma_start3A_59 = arith.constant 0 : i32
      %dma_start3A_60 = tpu.memref_slice %arg13[%run_scoped3A_24, %dma_start3A_59] : memref<128x128xf32, #tpu.memory_space<vmem>> -> memref<1x128xf32, #tpu.memory_space<vmem>>
      %dma_start3A_61 = tpu.memref_squeeze %dma_start3A_60 : memref<1x128xf32, #tpu.memory_space<vmem>> -> memref<128xf32, #tpu.memory_space<vmem>>
      tpu.enqueue_dma source(%dma_start3A_61 : memref<128xf32, #tpu.memory_space<vmem>>) target(%dma_start3A_58 : memref<128xf32, #tpu.memory_space<vmem_shared>>) target_semaphore(%run_scoped3A_53 : memref<!tpu.dma_semaphore, #tpu.memory_space<semaphore_mem>>)
      %dma_wait3A = arith.constant 0 : i32
      %dma_wait3A_62 = tpu.memref_slice %arg13[%run_scoped3A_24, %dma_wait3A] : memref<128x128xf32, #tpu.memory_space<vmem>> -> memref<1x128xf32, #tpu.memory_space<vmem>>
      %dma_wait3A_63 = tpu.memref_squeeze %dma_wait3A_62 : memref<1x128xf32, #tpu.memory_space<vmem>> -> memref<128xf32, #tpu.memory_space<vmem>>
      %dma_wait3A_64 = tpu.memref_slice %arg8[%add3A_23] : memref<10240xf32, #tpu.memory_space<vmem_shared>> -> memref<128xf32, #tpu.memory_space<vmem_shared>>
      %dma_wait3A_65 = tpu.memref_slice %arg8[%add3A_23] : memref<10240xf32, #tpu.memory_space<vmem_shared>> -> memref<128xf32, #tpu.memory_space<vmem_shared>>
      %dma_wait3A_66 = arith.constant 0 : i32
      %dma_wait3A_67 = tpu.memref_slice %arg13[%run_scoped3A_24, %dma_wait3A_66] : memref<128x128xf32, #tpu.memory_space<vmem>> -> memref<1x128xf32, #tpu.memory_space<vmem>>
      %dma_wait3A_68 = tpu.memref_squeeze %dma_wait3A_67 : memref<1x128xf32, #tpu.memory_space<vmem>> -> memref<128xf32, #tpu.memory_space<vmem>>
      tpu.wait_dma2 semaphore(%run_scoped3A_53 : memref<!tpu.dma_semaphore, #tpu.memory_space<semaphore_mem>>) src(%dma_wait3A_68 : memref<128xf32, #tpu.memory_space<vmem>>) dst(%dma_wait3A_65 : memref<128xf32, #tpu.memory_space<vmem_shared>>)
      tpu.yield
    }) : () -> ()
    %add3A_25 = arith.constant 256 : i32
    %add3A_26 = arith.addi %mul3A_9, %add3A_25 : i32
    %run_scoped3A_27 = arith.constant 0 : i32
    "tpu.region"() ({
      %run_scoped3A_53 = tpu.sem_alloc : memref<!tpu.dma_semaphore, #tpu.memory_space<semaphore_mem>>
      %dma_start3A_54 = arith.constant 0 : i32
      %dma_start3A_55 = tpu.memref_slice %arg13[%run_scoped3A_27, %dma_start3A_54] : memref<128x128xf32, #tpu.memory_space<vmem>> -> memref<1x128xf32, #tpu.memory_space<vmem>>
      %dma_start3A_56 = tpu.memref_squeeze %dma_start3A_55 : memref<1x128xf32, #tpu.memory_space<vmem>> -> memref<128xf32, #tpu.memory_space<vmem>>
      %dma_start3A_57 = tpu.memref_slice %arg8[%add3A_26] : memref<10240xf32, #tpu.memory_space<vmem_shared>> -> memref<128xf32, #tpu.memory_space<vmem_shared>>
      %dma_start3A_58 = tpu.memref_slice %arg8[%add3A_26] : memref<10240xf32, #tpu.memory_space<vmem_shared>> -> memref<128xf32, #tpu.memory_space<vmem_shared>>
      %dma_start3A_59 = arith.constant 0 : i32
      %dma_start3A_60 = tpu.memref_slice %arg13[%run_scoped3A_27, %dma_start3A_59] : memref<128x128xf32, #tpu.memory_space<vmem>> -> memref<1x128xf32, #tpu.memory_space<vmem>>
      %dma_start3A_61 = tpu.memref_squeeze %dma_start3A_60 : memref<1x128xf32, #tpu.memory_space<vmem>> -> memref<128xf32, #tpu.memory_space<vmem>>
      tpu.enqueue_dma source(%dma_start3A_61 : memref<128xf32, #tpu.memory_space<vmem>>) target(%dma_start3A_58 : memref<128xf32, #tpu.memory_space<vmem_shared>>) target_semaphore(%run_scoped3A_53 : memref<!tpu.dma_semaphore, #tpu.memory_space<semaphore_mem>>)
      %dma_wait3A = arith.constant 0 : i32
      %dma_wait3A_62 = tpu.memref_slice %arg13[%run_scoped3A_27, %dma_wait3A] : memref<128x128xf32, #tpu.memory_space<vmem>> -> memref<1x128xf32, #tpu.memory_space<vmem>>
      %dma_wait3A_63 = tpu.memref_squeeze %dma_wait3A_62 : memref<1x128xf32, #tpu.memory_space<vmem>> -> memref<128xf32, #tpu.memory_space<vmem>>
      %dma_wait3A_64 = tpu.memref_slice %arg8[%add3A_26] : memref<10240xf32, #tpu.memory_space<vmem_shared>> -> memref<128xf32, #tpu.memory_space<vmem_shared>>
      %dma_wait3A_65 = tpu.memref_slice %arg8[%add3A_26] : memref<10240xf32, #tpu.memory_space<vmem_shared>> -> memref<128xf32, #tpu.memory_space<vmem_shared>>
      %dma_wait3A_66 = arith.constant 0 : i32
      %dma_wait3A_67 = tpu.memref_slice %arg13[%run_scoped3A_27, %dma_wait3A_66] : memref<128x128xf32, #tpu.memory_space<vmem>> -> memref<1x128xf32, #tpu.memory_space<vmem>>
      %dma_wait3A_68 = tpu.memref_squeeze %dma_wait3A_67 : memref<1x128xf32, #tpu.memory_space<vmem>> -> memref<128xf32, #tpu.memory_space<vmem>>
      tpu.wait_dma2 semaphore(%run_scoped3A_53 : memref<!tpu.dma_semaphore, #tpu.memory_space<semaphore_mem>>) src(%dma_wait3A_68 : memref<128xf32, #tpu.memory_space<vmem>>) dst(%dma_wait3A_65 : memref<128xf32, #tpu.memory_space<vmem_shared>>)
      tpu.yield
    }) : () -> ()
    %add3A_28 = arith.constant 384 : i32
    %add3A_29 = arith.addi %mul3A_9, %add3A_28 : i32
    %run_scoped3A_30 = arith.constant 0 : i32
    "tpu.region"() ({
      %run_scoped3A_53 = tpu.sem_alloc : memref<!tpu.dma_semaphore, #tpu.memory_space<semaphore_mem>>
      %dma_start3A_54 = arith.constant 0 : i32
      %dma_start3A_55 = tpu.memref_slice %arg13[%run_scoped3A_30, %dma_start3A_54] : memref<128x128xf32, #tpu.memory_space<vmem>> -> memref<1x128xf32, #tpu.memory_space<vmem>>
      %dma_start3A_56 = tpu.memref_squeeze %dma_start3A_55 : memref<1x128xf32, #tpu.memory_space<vmem>> -> memref<128xf32, #tpu.memory_space<vmem>>
      %dma_start3A_57 = tpu.memref_slice %arg8[%add3A_29] : memref<10240xf32, #tpu.memory_space<vmem_shared>> -> memref<128xf32, #tpu.memory_space<vmem_shared>>
      %dma_start3A_58 = tpu.memref_slice %arg8[%add3A_29] : memref<10240xf32, #tpu.memory_space<vmem_shared>> -> memref<128xf32, #tpu.memory_space<vmem_shared>>
      %dma_start3A_59 = arith.constant 0 : i32
      %dma_start3A_60 = tpu.memref_slice %arg13[%run_scoped3A_30, %dma_start3A_59] : memref<128x128xf32, #tpu.memory_space<vmem>> -> memref<1x128xf32, #tpu.memory_space<vmem>>
      %dma_start3A_61 = tpu.memref_squeeze %dma_start3A_60 : memref<1x128xf32, #tpu.memory_space<vmem>> -> memref<128xf32, #tpu.memory_space<vmem>>
      tpu.enqueue_dma source(%dma_start3A_61 : memref<128xf32, #tpu.memory_space<vmem>>) target(%dma_start3A_58 : memref<128xf32, #tpu.memory_space<vmem_shared>>) target_semaphore(%run_scoped3A_53 : memref<!tpu.dma_semaphore, #tpu.memory_space<semaphore_mem>>)
      %dma_wait3A = arith.constant 0 : i32
      %dma_wait3A_62 = tpu.memref_slice %arg13[%run_scoped3A_30, %dma_wait3A] : memref<128x128xf32, #tpu.memory_space<vmem>> -> memref<1x128xf32, #tpu.memory_space<vmem>>
      %dma_wait3A_63 = tpu.memref_squeeze %dma_wait3A_62 : memref<1x128xf32, #tpu.memory_space<vmem>> -> memref<128xf32, #tpu.memory_space<vmem>>
      %dma_wait3A_64 = tpu.memref_slice %arg8[%add3A_29] : memref<10240xf32, #tpu.memory_space<vmem_shared>> -> memref<128xf32, #tpu.memory_space<vmem_shared>>
      %dma_wait3A_65 = tpu.memref_slice %arg8[%add3A_29] : memref<10240xf32, #tpu.memory_space<vmem_shared>> -> memref<128xf32, #tpu.memory_space<vmem_shared>>
      %dma_wait3A_66 = arith.constant 0 : i32
      %dma_wait3A_67 = tpu.memref_slice %arg13[%run_scoped3A_30, %dma_wait3A_66] : memref<128x128xf32, #tpu.memory_space<vmem>> -> memref<1x128xf32, #tpu.memory_space<vmem>>
      %dma_wait3A_68 = tpu.memref_squeeze %dma_wait3A_67 : memref<1x128xf32, #tpu.memory_space<vmem>> -> memref<128xf32, #tpu.memory_space<vmem>>
      tpu.wait_dma2 semaphore(%run_scoped3A_53 : memref<!tpu.dma_semaphore, #tpu.memory_space<semaphore_mem>>) src(%dma_wait3A_68 : memref<128xf32, #tpu.memory_space<vmem>>) dst(%dma_wait3A_65 : memref<128xf32, #tpu.memory_space<vmem_shared>>)
      tpu.yield
    }) : () -> ()
    %add3A_31 = arith.constant 512 : i32
    %add3A_32 = arith.addi %mul3A_9, %add3A_31 : i32
    %run_scoped3A_33 = arith.constant 0 : i32
    "tpu.region"() ({
      %run_scoped3A_53 = tpu.sem_alloc : memref<!tpu.dma_semaphore, #tpu.memory_space<semaphore_mem>>
      %dma_start3A_54 = arith.constant 0 : i32
      %dma_start3A_55 = tpu.memref_slice %arg13[%run_scoped3A_33, %dma_start3A_54] : memref<128x128xf32, #tpu.memory_space<vmem>> -> memref<1x128xf32, #tpu.memory_space<vmem>>
      %dma_start3A_56 = tpu.memref_squeeze %dma_start3A_55 : memref<1x128xf32, #tpu.memory_space<vmem>> -> memref<128xf32, #tpu.memory_space<vmem>>
      %dma_start3A_57 = tpu.memref_slice %arg8[%add3A_32] : memref<10240xf32, #tpu.memory_space<vmem_shared>> -> memref<128xf32, #tpu.memory_space<vmem_shared>>
      %dma_start3A_58 = tpu.memref_slice %arg8[%add3A_32] : memref<10240xf32, #tpu.memory_space<vmem_shared>> -> memref<128xf32, #tpu.memory_space<vmem_shared>>
      %dma_start3A_59 = arith.constant 0 : i32
      %dma_start3A_60 = tpu.memref_slice %arg13[%run_scoped3A_33, %dma_start3A_59] : memref<128x128xf32, #tpu.memory_space<vmem>> -> memref<1x128xf32, #tpu.memory_space<vmem>>
      %dma_start3A_61 = tpu.memref_squeeze %dma_start3A_60 : memref<1x128xf32, #tpu.memory_space<vmem>> -> memref<128xf32, #tpu.memory_space<vmem>>
      tpu.enqueue_dma source(%dma_start3A_61 : memref<128xf32, #tpu.memory_space<vmem>>) target(%dma_start3A_58 : memref<128xf32, #tpu.memory_space<vmem_shared>>) target_semaphore(%run_scoped3A_53 : memref<!tpu.dma_semaphore, #tpu.memory_space<semaphore_mem>>)
      %dma_wait3A = arith.constant 0 : i32
      %dma_wait3A_62 = tpu.memref_slice %arg13[%run_scoped3A_33, %dma_wait3A] : memref<128x128xf32, #tpu.memory_space<vmem>> -> memref<1x128xf32, #tpu.memory_space<vmem>>
      %dma_wait3A_63 = tpu.memref_squeeze %dma_wait3A_62 : memref<1x128xf32, #tpu.memory_space<vmem>> -> memref<128xf32, #tpu.memory_space<vmem>>
      %dma_wait3A_64 = tpu.memref_slice %arg8[%add3A_32] : memref<10240xf32, #tpu.memory_space<vmem_shared>> -> memref<128xf32, #tpu.memory_space<vmem_shared>>
      %dma_wait3A_65 = tpu.memref_slice %arg8[%add3A_32] : memref<10240xf32, #tpu.memory_space<vmem_shared>> -> memref<128xf32, #tpu.memory_space<vmem_shared>>
      %dma_wait3A_66 = arith.constant 0 : i32
      %dma_wait3A_67 = tpu.memref_slice %arg13[%run_scoped3A_33, %dma_wait3A_66] : memref<128x128xf32, #tpu.memory_space<vmem>> -> memref<1x128xf32, #tpu.memory_space<vmem>>
      %dma_wait3A_68 = tpu.memref_squeeze %dma_wait3A_67 : memref<1x128xf32, #tpu.memory_space<vmem>> -> memref<128xf32, #tpu.memory_space<vmem>>
      tpu.wait_dma2 semaphore(%run_scoped3A_53 : memref<!tpu.dma_semaphore, #tpu.memory_space<semaphore_mem>>) src(%dma_wait3A_68 : memref<128xf32, #tpu.memory_space<vmem>>) dst(%dma_wait3A_65 : memref<128xf32, #tpu.memory_space<vmem_shared>>)
      tpu.yield
    }) : () -> ()
    %barrier3A = arith.constant 0 : index
    tpu.barrier barrier_id(%barrier3A)
    "tpu.region"() ({
      %run_scoped3A_53 = tpu.sem_alloc : memref<!tpu.dma_semaphore, #tpu.memory_space<semaphore_mem>>
      %dma_start3A_54 = arith.constant 0 : i32
      %dma_start3A_55 = arith.constant 0 : i32
      %dma_start3A_56 = tpu.memref_slice %arg3[%add3A, %dma_start3A_54, %dma_start3A_55] : memref<2500x2x128xi32, #tpu.memory_space<hbm>> -> memref<1x2x128xi32, #tpu.memory_space<hbm>>
      %dma_start3A_57 = tpu.memref_squeeze %dma_start3A_56 : memref<1x2x128xi32, #tpu.memory_space<hbm>> -> memref<2x128xi32, #tpu.memory_space<hbm>>
      %dma_start3A_58 = arith.constant 0 : i32
      %dma_start3A_59 = arith.constant 0 : i32
      %dma_start3A_60 = tpu.memref_slice %arg3[%add3A, %dma_start3A_58, %dma_start3A_59] : memref<2500x2x128xi32, #tpu.memory_space<hbm>> -> memref<1x2x128xi32, #tpu.memory_space<hbm>>
      %dma_start3A_61 = tpu.memref_squeeze %dma_start3A_60 : memref<1x2x128xi32, #tpu.memory_space<hbm>> -> memref<2x128xi32, #tpu.memory_space<hbm>>
      tpu.enqueue_dma source(%dma_start3A_61 : memref<2x128xi32, #tpu.memory_space<hbm>>) target(%arg9 : memref<2x128xi32, #tpu.memory_space<vmem>>) target_semaphore(%run_scoped3A_53 : memref<!tpu.dma_semaphore, #tpu.memory_space<semaphore_mem>>)
      %dma_wait3A = arith.constant 0 : i32
      %dma_wait3A_62 = arith.constant 0 : i32
      %dma_wait3A_63 = tpu.memref_slice %arg3[%add3A, %dma_wait3A, %dma_wait3A_62] : memref<2500x2x128xi32, #tpu.memory_space<hbm>> -> memref<1x2x128xi32, #tpu.memory_space<hbm>>
      %dma_wait3A_64 = tpu.memref_squeeze %dma_wait3A_63 : memref<1x2x128xi32, #tpu.memory_space<hbm>> -> memref<2x128xi32, #tpu.memory_space<hbm>>
      %dma_wait3A_65 = arith.constant 0 : i32
      %dma_wait3A_66 = arith.constant 0 : i32
      %dma_wait3A_67 = tpu.memref_slice %arg3[%add3A, %dma_wait3A_65, %dma_wait3A_66] : memref<2500x2x128xi32, #tpu.memory_space<hbm>> -> memref<1x2x128xi32, #tpu.memory_space<hbm>>
      %dma_wait3A_68 = tpu.memref_squeeze %dma_wait3A_67 : memref<1x2x128xi32, #tpu.memory_space<hbm>> -> memref<2x128xi32, #tpu.memory_space<hbm>>
      tpu.wait_dma2 semaphore(%run_scoped3A_53 : memref<!tpu.dma_semaphore, #tpu.memory_space<semaphore_mem>>) src(%dma_wait3A_68 : memref<2x128xi32, #tpu.memory_space<hbm>>) dst(%arg9 : memref<2x128xi32, #tpu.memory_space<vmem>>)
      tpu.yield
    }) : () -> ()
    %mul3A_34 = arith.constant 128 : i32
    %mul3A_35 = arith.muli %add3A, %mul3A_34 : i32
    "tpu.region"() ({
      %run_scoped3A_53 = tpu.sem_alloc : memref<!tpu.dma_semaphore, #tpu.memory_space<semaphore_mem>>
      %dma_start3A_54 = arith.constant 0 : i32
      %dma_start3A_55 = tpu.memref_slice %arg11[%dma_start3A_54] : memref<144xf32, #tpu.memory_space<vmem>> -> memref<128xf32, #tpu.memory_space<vmem>>
      %dma_start3A_56 = tpu.memref_slice %arg4[%mul3A_35] : memref<320000xf32, #tpu.memory_space<hbm>> -> memref<128xf32, #tpu.memory_space<hbm>>
      %dma_start3A_57 = arith.constant 0 : i32
      %dma_start3A_58 = tpu.memref_slice %arg11[%dma_start3A_57] : memref<144xf32, #tpu.memory_space<vmem>> -> memref<128xf32, #tpu.memory_space<vmem>>
      %dma_start3A_59 = tpu.memref_slice %arg4[%mul3A_35] : memref<320000xf32, #tpu.memory_space<hbm>> -> memref<128xf32, #tpu.memory_space<hbm>>
      tpu.enqueue_dma source(%dma_start3A_59 : memref<128xf32, #tpu.memory_space<hbm>>) target(%dma_start3A_58 : memref<128xf32, #tpu.memory_space<vmem>>) target_semaphore(%run_scoped3A_53 : memref<!tpu.dma_semaphore, #tpu.memory_space<semaphore_mem>>)
      %dma_wait3A = arith.constant 0 : i32
      %dma_wait3A_60 = tpu.memref_slice %arg11[%dma_wait3A] : memref<144xf32, #tpu.memory_space<vmem>> -> memref<128xf32, #tpu.memory_space<vmem>>
      %dma_wait3A_61 = tpu.memref_slice %arg4[%mul3A_35] : memref<320000xf32, #tpu.memory_space<hbm>> -> memref<128xf32, #tpu.memory_space<hbm>>
      %dma_wait3A_62 = arith.constant 0 : i32
      %dma_wait3A_63 = tpu.memref_slice %arg11[%dma_wait3A_62] : memref<144xf32, #tpu.memory_space<vmem>> -> memref<128xf32, #tpu.memory_space<vmem>>
      %dma_wait3A_64 = tpu.memref_slice %arg4[%mul3A_35] : memref<320000xf32, #tpu.memory_space<hbm>> -> memref<128xf32, #tpu.memory_space<hbm>>
      tpu.wait_dma2 semaphore(%run_scoped3A_53 : memref<!tpu.dma_semaphore, #tpu.memory_space<semaphore_mem>>) src(%dma_wait3A_64 : memref<128xf32, #tpu.memory_space<hbm>>) dst(%dma_wait3A_63 : memref<128xf32, #tpu.memory_space<vmem>>)
      tpu.yield
    }) : () -> ()
    %dma_start3A = arith.constant 0 : i32
    %dma_start3A_36 = arith.constant 0 : i32
    %dma_start3A_37 = tpu.memref_slice %arg9[%dma_start3A, %dma_start3A_36] : memref<2x128xi32, #tpu.memory_space<vmem>> -> memref<1x128xi32, #tpu.memory_space<vmem>>
    %dma_start3A_38 = tpu.memref_squeeze %dma_start3A_37 : memref<1x128xi32, #tpu.memory_space<vmem>> -> memref<128xi32, #tpu.memory_space<vmem>>
    %dma_start3A_39 = arith.constant 0 : i32
    %dma_start3A_40 = arith.constant 0 : i32
    %dma_start3A_41 = tpu.memref_slice %arg2[%dma_start3A_39, %dma_start3A_40] : memref<10000x128xf32, #tpu.memory_space<hbm>> -> memref<10000x128xf32, #tpu.memory_space<hbm>>
    tpu.enqueue_indirect_dma source(%dma_start3A_41 : memref<10000x128xf32, #tpu.memory_space<hbm>>) target(%arg13 : memref<128x128xf32, #tpu.memory_space<vmem>>) offsets(%dma_start3A_38 : memref<128xi32, #tpu.memory_space<vmem>>) semaphore(%arg15 : memref<!tpu.dma_semaphore, #tpu.memory_space<semaphore_mem>>)
    %scan3A_42 = arith.constant 0 : i32
    %scan3A_43 = arith.constant 0 : i32
    %scan3A_44 = arith.constant 40 : i32
    %scan3A_45 = arith.addi %scan3A_43, %scan3A_44 : i32
    %scan3A_46 = arith.constant 1 : i32
    %scan3A_47 = scf.for %scan3A_53 = %scan3A_43 to %scan3A_45 step %scan3A_46 iter_args(%scan3A_54 = %scan3A_42) -> (i32)  : i32 {
      %mul3A_55 = arith.constant 2 : i32
      %mul3A_56 = arith.muli %mul3A_55, %scan3A_53 : i32
      %mul3A_57 = arith.constant 32 : i32
      %mul3A_58 = arith.muli %mul3A_56, %mul3A_57 : i32
      %add3A_59 = arith.addi %mul3A_58, %add3A : i32
      %add3A_60 = arith.constant 32 : i32
      %add3A_61 = arith.addi %add3A_59, %add3A_60 : i32
      %add3A_62 = arith.constant 32 : i32
      %add3A_63 = arith.addi %add3A_61, %add3A_62 : i32
      %lt3A = arith.constant 2500 : i32
      %lt3A_64 = arith.cmpi slt, %add3A_61, %lt3A : i32
      %convert_element_type3A = arith.extui %lt3A_64 : i1 to i32
      %cond3A = arith.constant 0 : i32
      %cond3A_65 = arith.cmpi ne, %convert_element_type3A, %cond3A : i32
      scf.if %cond3A_65 {
        "tpu.region"() ({
          %run_scoped3A_91 = tpu.sem_alloc : memref<!tpu.dma_semaphore, #tpu.memory_space<semaphore_mem>>
          %dma_start3A_92 = arith.constant 0 : i32
          %dma_start3A_93 = arith.constant 0 : i32
          %dma_start3A_94 = tpu.memref_slice %arg3[%add3A_61, %dma_start3A_92, %dma_start3A_93] : memref<2500x2x128xi32, #tpu.memory_space<hbm>> -> memref<1x2x128xi32, #tpu.memory_space<hbm>>
          %dma_start3A_95 = tpu.memref_squeeze %dma_start3A_94 : memref<1x2x128xi32, #tpu.memory_space<hbm>> -> memref<2x128xi32, #tpu.memory_space<hbm>>
          %dma_start3A_96 = arith.constant 0 : i32
          %dma_start3A_97 = arith.constant 0 : i32
          %dma_start3A_98 = tpu.memref_slice %arg3[%add3A_61, %dma_start3A_96, %dma_start3A_97] : memref<2500x2x128xi32, #tpu.memory_space<hbm>> -> memref<1x2x128xi32, #tpu.memory_space<hbm>>
          %dma_start3A_99 = tpu.memref_squeeze %dma_start3A_98 : memref<1x2x128xi32, #tpu.memory_space<hbm>> -> memref<2x128xi32, #tpu.memory_space<hbm>>
          tpu.enqueue_dma source(%dma_start3A_99 : memref<2x128xi32, #tpu.memory_space<hbm>>) target(%arg10 : memref<2x128xi32, #tpu.memory_space<vmem>>) target_semaphore(%run_scoped3A_91 : memref<!tpu.dma_semaphore, #tpu.memory_space<semaphore_mem>>)
          %dma_wait3A = arith.constant 0 : i32
          %dma_wait3A_100 = arith.constant 0 : i32
          %dma_wait3A_101 = tpu.memref_slice %arg3[%add3A_61, %dma_wait3A, %dma_wait3A_100] : memref<2500x2x128xi32, #tpu.memory_space<hbm>> -> memref<1x2x128xi32, #tpu.memory_space<hbm>>
          %dma_wait3A_102 = tpu.memref_squeeze %dma_wait3A_101 : memref<1x2x128xi32, #tpu.memory_space<hbm>> -> memref<2x128xi32, #tpu.memory_space<hbm>>
          %dma_wait3A_103 = arith.constant 0 : i32
          %dma_wait3A_104 = arith.constant 0 : i32
          %dma_wait3A_105 = tpu.memref_slice %arg3[%add3A_61, %dma_wait3A_103, %dma_wait3A_104] : memref<2500x2x128xi32, #tpu.memory_space<hbm>> -> memref<1x2x128xi32, #tpu.memory_space<hbm>>
          %dma_wait3A_106 = tpu.memref_squeeze %dma_wait3A_105 : memref<1x2x128xi32, #tpu.memory_space<hbm>> -> memref<2x128xi32, #tpu.memory_space<hbm>>
          tpu.wait_dma2 semaphore(%run_scoped3A_91 : memref<!tpu.dma_semaphore, #tpu.memory_space<semaphore_mem>>) src(%dma_wait3A_106 : memref<2x128xi32, #tpu.memory_space<hbm>>) dst(%arg10 : memref<2x128xi32, #tpu.memory_space<vmem>>)
          tpu.yield
        }) : () -> ()
        %mul3A_82 = arith.constant 128 : i32
        %mul3A_83 = arith.muli %add3A_61, %mul3A_82 : i32
        "tpu.region"() ({
          %run_scoped3A_91 = tpu.sem_alloc : memref<!tpu.dma_semaphore, #tpu.memory_space<semaphore_mem>>
          %dma_start3A_92 = arith.constant 0 : i32
          %dma_start3A_93 = tpu.memref_slice %arg12[%dma_start3A_92] : memref<144xf32, #tpu.memory_space<vmem>> -> memref<128xf32, #tpu.memory_space<vmem>>
          %dma_start3A_94 = tpu.memref_slice %arg4[%mul3A_83] : memref<320000xf32, #tpu.memory_space<hbm>> -> memref<128xf32, #tpu.memory_space<hbm>>
          %dma_start3A_95 = arith.constant 0 : i32
          %dma_start3A_96 = tpu.memref_slice %arg12[%dma_start3A_95] : memref<144xf32, #tpu.memory_space<vmem>> -> memref<128xf32, #tpu.memory_space<vmem>>
          %dma_start3A_97 = tpu.memref_slice %arg4[%mul3A_83] : memref<320000xf32, #tpu.memory_space<hbm>> -> memref<128xf32, #tpu.memory_space<hbm>>
          tpu.enqueue_dma source(%dma_start3A_97 : memref<128xf32, #tpu.memory_space<hbm>>) target(%dma_start3A_96 : memref<128xf32, #tpu.memory_space<vmem>>) target_semaphore(%run_scoped3A_91 : memref<!tpu.dma_semaphore, #tpu.memory_space<semaphore_mem>>)
          %dma_wait3A = arith.constant 0 : i32
          %dma_wait3A_98 = tpu.memref_slice %arg12[%dma_wait3A] : memref<144xf32, #tpu.memory_space<vmem>> -> memref<128xf32, #tpu.memory_space<vmem>>
          %dma_wait3A_99 = tpu.memref_slice %arg4[%mul3A_83] : memref<320000xf32, #tpu.memory_space<hbm>> -> memref<128xf32, #tpu.memory_space<hbm>>
          %dma_wait3A_100 = arith.constant 0 : i32
          %dma_wait3A_101 = tpu.memref_slice %arg12[%dma_wait3A_100] : memref<144xf32, #tpu.memory_space<vmem>> -> memref<128xf32, #tpu.memory_space<vmem>>
          %dma_wait3A_102 = tpu.memref_slice %arg4[%mul3A_83] : memref<320000xf32, #tpu.memory_space<hbm>> -> memref<128xf32, #tpu.memory_space<hbm>>
          tpu.wait_dma2 semaphore(%run_scoped3A_91 : memref<!tpu.dma_semaphore, #tpu.memory_space<semaphore_mem>>) src(%dma_wait3A_102 : memref<128xf32, #tpu.memory_space<hbm>>) dst(%dma_wait3A_101 : memref<128xf32, #tpu.memory_space<vmem>>)
          tpu.yield
        }) : () -> ()
        %dma_start3A_84 = arith.constant 0 : i32
        %dma_start3A_85 = arith.constant 0 : i32
        %dma_start3A_86 = tpu.memref_slice %arg10[%dma_start3A_84, %dma_start3A_85] : memref<2x128xi32, #tpu.memory_space<vmem>> -> memref<1x128xi32, #tpu.memory_space<vmem>>
        %dma_start3A_87 = tpu.memref_squeeze %dma_start3A_86 : memref<1x128xi32, #tpu.memory_space<vmem>> -> memref<128xi32, #tpu.memory_space<vmem>>
        %dma_start3A_88 = arith.constant 0 : i32
        %dma_start3A_89 = arith.constant 0 : i32
        %dma_start3A_90 = tpu.memref_slice %arg2[%dma_start3A_88, %dma_start3A_89] : memref<10000x128xf32, #tpu.memory_space<hbm>> -> memref<10000x128xf32, #tpu.memory_space<hbm>>
        tpu.enqueue_indirect_dma source(%dma_start3A_90 : memref<10000x128xf32, #tpu.memory_space<hbm>>) target(%arg14 : memref<128x128xf32, #tpu.memory_space<vmem>>) offsets(%dma_start3A_87 : memref<128xi32, #tpu.memory_space<vmem>>) semaphore(%arg16 : memref<!tpu.dma_semaphore, #tpu.memory_space<semaphore_mem>>)
      } else {
      }
      %lt3A_66 = arith.constant 2500 : i32
      %lt3A_67 = arith.cmpi slt, %add3A_59, %lt3A_66 : i32
      %convert_element_type3A_68 = arith.extui %lt3A_67 : i1 to i32
      %cond3A_69 = arith.constant 0 : i32
      %cond3A_70 = arith.cmpi ne, %convert_element_type3A_68, %cond3A_69 : i32
      scf.if %cond3A_70 {
        %dma_wait3A = arith.constant 0 : i32
        %dma_wait3A_82 = arith.constant 0 : i32
        %dma_wait3A_83 = tpu.memref_slice %arg9[%dma_wait3A, %dma_wait3A_82] : memref<2x128xi32, #tpu.memory_space<vmem>> -> memref<1x128xi32, #tpu.memory_space<vmem>>
        %dma_wait3A_84 = tpu.memref_squeeze %dma_wait3A_83 : memref<1x128xi32, #tpu.memory_space<vmem>> -> memref<128xi32, #tpu.memory_space<vmem>>
        %dma_wait3A_85 = arith.constant 0 : i32
        %dma_wait3A_86 = arith.constant 0 : i32
        %dma_wait3A_87 = tpu.memref_slice %arg2[%dma_wait3A_85, %dma_wait3A_86] : memref<10000x128xf32, #tpu.memory_space<hbm>> -> memref<10000x128xf32, #tpu.memory_space<hbm>>
        tpu.wait_indirect_dma semaphore(%arg15 : memref<!tpu.dma_semaphore, #tpu.memory_space<semaphore_mem>>) src(%dma_wait3A_87 : memref<10000x128xf32, #tpu.memory_space<hbm>>) dst(%arg13 : memref<128x128xf32, #tpu.memory_space<vmem>>)
        %scan3A_88 = arith.constant 0 : i32
        %scan3A_89 = arith.constant 0 : i32
        %scan3A_90 = arith.constant 128 : i32
        %scan3A_91 = arith.addi %scan3A_89, %scan3A_90 : i32
        %scan3A_92 = arith.constant 1 : i32
        %scan3A_93 = scf.for %scan3A_97 = %scan3A_89 to %scan3A_91 step %scan3A_92 iter_args(%scan3A_98 = %scan3A_88) -> (i32)  : i32 {
          %get3A = arith.index_cast %scan3A_97 : i32 to index
          %get3A_99 = tpu.vector_load %arg11[%get3A] {strides = array<i32>} : memref<144xf32, #tpu.memory_space<vmem>>, vector<16xf32>,
          %get3A_100 = vector.shape_cast %get3A_99 : vector<16xf32> to vector<16xf32>
          %slice3A = vector.extract_strided_slice %get3A_100 {offsets = [0], sizes = [1], strides = [1]} : vector<16xf32> to vector<1xf32>
          %squeeze3A = vector.extract %slice3A[0] : f32 from vector<1xf32>
          %broadcast_in_dim3A_101 = vector.broadcast %squeeze3A : f32 to vector<16xf32>
          %get3A_102 = arith.index_cast %scan3A_97 : i32 to index
          %get3A_103 = arith.constant 0 : index
          %get3A_104 = tpu.vector_load %arg13[%get3A_102, %get3A_103] {strides = array<i32>} : memref<128x128xf32, #tpu.memory_space<vmem>>, vector<1x16xf32>,
          %get3A_105 = vector.shape_cast %get3A_104 : vector<1x16xf32> to vector<16xf32>
          %mul3A_106 = arith.mulf %get3A_105, %broadcast_in_dim3A_101 : vector<16xf32>
          %swap3A = arith.index_cast %scan3A_97 : i32 to index
          %swap3A_107 = arith.constant 0 : index
          %swap3A_108 = tpu.vector_load %arg13[%swap3A, %swap3A_107] {strides = array<i32>} : memref<128x128xf32, #tpu.memory_space<vmem>>, vector<1x16xf32>,
          %swap3A_109 = vector.shape_cast %swap3A_108 : vector<1x16xf32> to vector<16xf32>
          %swap3A_110 = vector.shape_cast %mul3A_106 : vector<16xf32> to vector<1x16xf32>
          tpu.vector_store %arg13[%swap3A, %swap3A_107], %swap3A_110 {strides = array<i32>} : memref<128x128xf32, #tpu.memory_space<vmem>>, vector<1x16xf32>,
          %get3A_111 = arith.index_cast %scan3A_97 : i32 to index
          %get3A_112 = arith.constant 16 : index
          %get3A_113 = tpu.vector_load %arg13[%get3A_111, %get3A_112] {strides = array<i32>} : memref<128x128xf32, #tpu.memory_space<vmem>>, vector<1x16xf32>,
          %get3A_114 = vector.shape_cast %get3A_113 : vector<1x16xf32> to vector<16xf32>
          %mul3A_115 = arith.mulf %get3A_114, %broadcast_in_dim3A_101 : vector<16xf32>
          %swap3A_116 = arith.index_cast %scan3A_97 : i32 to index
          %swap3A_117 = arith.constant 16 : index
          %swap3A_118 = tpu.vector_load %arg13[%swap3A_116, %swap3A_117] {strides = array<i32>} : memref<128x128xf32, #tpu.memory_space<vmem>>, vector<1x16xf32>,
          %swap3A_119 = vector.shape_cast %swap3A_118 : vector<1x16xf32> to vector<16xf32>
          %swap3A_120 = vector.shape_cast %mul3A_115 : vector<16xf32> to vector<1x16xf32>
          tpu.vector_store %arg13[%swap3A_116, %swap3A_117], %swap3A_120 {strides = array<i32>} : memref<128x128xf32, #tpu.memory_space<vmem>>, vector<1x16xf32>,
          %get3A_121 = arith.index_cast %scan3A_97 : i32 to index
          %get3A_122 = arith.constant 32 : index
          %get3A_123 = tpu.vector_load %arg13[%get3A_121, %get3A_122] {strides = array<i32>} : memref<128x128xf32, #tpu.memory_space<vmem>>, vector<1x16xf32>,
          %get3A_124 = vector.shape_cast %get3A_123 : vector<1x16xf32> to vector<16xf32>
          %mul3A_125 = arith.mulf %get3A_124, %broadcast_in_dim3A_101 : vector<16xf32>
          %swap3A_126 = arith.index_cast %scan3A_97 : i32 to index
          %swap3A_127 = arith.constant 32 : index
          %swap3A_128 = tpu.vector_load %arg13[%swap3A_126, %swap3A_127] {strides = array<i32>} : memref<128x128xf32, #tpu.memory_space<vmem>>, vector<1x16xf32>,
          %swap3A_129 = vector.shape_cast %swap3A_128 : vector<1x16xf32> to vector<16xf32>
          %swap3A_130 = vector.shape_cast %mul3A_125 : vector<16xf32> to vector<1x16xf32>
          tpu.vector_store %arg13[%swap3A_126, %swap3A_127], %swap3A_130 {strides = array<i32>} : memref<128x128xf32, #tpu.memory_space<vmem>>, vector<1x16xf32>,
          %get3A_131 = arith.index_cast %scan3A_97 : i32 to index
          %get3A_132 = arith.constant 48 : index
          %get3A_133 = tpu.vector_load %arg13[%get3A_131, %get3A_132] {strides = array<i32>} : memref<128x128xf32, #tpu.memory_space<vmem>>, vector<1x16xf32>,
          %get3A_134 = vector.shape_cast %get3A_133 : vector<1x16xf32> to vector<16xf32>
          %mul3A_135 = arith.mulf %get3A_134, %broadcast_in_dim3A_101 : vector<16xf32>
          %swap3A_136 = arith.index_cast %scan3A_97 : i32 to index
          %swap3A_137 = arith.constant 48 : index
          %swap3A_138 = tpu.vector_load %arg13[%swap3A_136, %swap3A_137] {strides = array<i32>} : memref<128x128xf32, #tpu.memory_space<vmem>>, vector<1x16xf32>,
          %swap3A_139 = vector.shape_cast %swap3A_138 : vector<1x16xf32> to vector<16xf32>
          %swap3A_140 = vector.shape_cast %mul3A_135 : vector<16xf32> to vector<1x16xf32>
          tpu.vector_store %arg13[%swap3A_136, %swap3A_137], %swap3A_140 {strides = array<i32>} : memref<128x128xf32, #tpu.memory_space<vmem>>, vector<1x16xf32>,
          %get3A_141 = arith.index_cast %scan3A_97 : i32 to index
          %get3A_142 = arith.constant 64 : index
          %get3A_143 = tpu.vector_load %arg13[%get3A_141, %get3A_142] {strides = array<i32>} : memref<128x128xf32, #tpu.memory_space<vmem>>, vector<1x16xf32>,
          %get3A_144 = vector.shape_cast %get3A_143 : vector<1x16xf32> to vector<16xf32>
          %mul3A_145 = arith.mulf %get3A_144, %broadcast_in_dim3A_101 : vector<16xf32>
          %swap3A_146 = arith.index_cast %scan3A_97 : i32 to index
          %swap3A_147 = arith.constant 64 : index
          %swap3A_148 = tpu.vector_load %arg13[%swap3A_146, %swap3A_147] {strides = array<i32>} : memref<128x128xf32, #tpu.memory_space<vmem>>, vector<1x16xf32>,
          %swap3A_149 = vector.shape_cast %swap3A_148 : vector<1x16xf32> to vector<16xf32>
          %swap3A_150 = vector.shape_cast %mul3A_145 : vector<16xf32> to vector<1x16xf32>
          tpu.vector_store %arg13[%swap3A_146, %swap3A_147], %swap3A_150 {strides = array<i32>} : memref<128x128xf32, #tpu.memory_space<vmem>>, vector<1x16xf32>,
          %get3A_151 = arith.index_cast %scan3A_97 : i32 to index
          %get3A_152 = arith.constant 80 : index
          %get3A_153 = tpu.vector_load %arg13[%get3A_151, %get3A_152] {strides = array<i32>} : memref<128x128xf32, #tpu.memory_space<vmem>>, vector<1x16xf32>,
          %get3A_154 = vector.shape_cast %get3A_153 : vector<1x16xf32> to vector<16xf32>
          %mul3A_155 = arith.mulf %get3A_154, %broadcast_in_dim3A_101 : vector<16xf32>
          %swap3A_156 = arith.index_cast %scan3A_97 : i32 to index
          %swap3A_157 = arith.constant 80 : index
          %swap3A_158 = tpu.vector_load %arg13[%swap3A_156, %swap3A_157] {strides = array<i32>} : memref<128x128xf32, #tpu.memory_space<vmem>>, vector<1x16xf32>,
          %swap3A_159 = vector.shape_cast %swap3A_158 : vector<1x16xf32> to vector<16xf32>
          %swap3A_160 = vector.shape_cast %mul3A_155 : vector<16xf32> to vector<1x16xf32>
          tpu.vector_store %arg13[%swap3A_156, %swap3A_157], %swap3A_160 {strides = array<i32>} : memref<128x128xf32, #tpu.memory_space<vmem>>, vector<1x16xf32>,
          %get3A_161 = arith.index_cast %scan3A_97 : i32 to index
          %get3A_162 = arith.constant 96 : index
          %get3A_163 = tpu.vector_load %arg13[%get3A_161, %get3A_162] {strides = array<i32>} : memref<128x128xf32, #tpu.memory_space<vmem>>, vector<1x16xf32>,
          %get3A_164 = vector.shape_cast %get3A_163 : vector<1x16xf32> to vector<16xf32>
          %mul3A_165 = arith.mulf %get3A_164, %broadcast_in_dim3A_101 : vector<16xf32>
          %swap3A_166 = arith.index_cast %scan3A_97 : i32 to index
          %swap3A_167 = arith.constant 96 : index
          %swap3A_168 = tpu.vector_load %arg13[%swap3A_166, %swap3A_167] {strides = array<i32>} : memref<128x128xf32, #tpu.memory_space<vmem>>, vector<1x16xf32>,
          %swap3A_169 = vector.shape_cast %swap3A_168 : vector<1x16xf32> to vector<16xf32>
          %swap3A_170 = vector.shape_cast %mul3A_165 : vector<16xf32> to vector<1x16xf32>
          tpu.vector_store %arg13[%swap3A_166, %swap3A_167], %swap3A_170 {strides = array<i32>} : memref<128x128xf32, #tpu.memory_space<vmem>>, vector<1x16xf32>,
          %get3A_171 = arith.index_cast %scan3A_97 : i32 to index
          %get3A_172 = arith.constant 112 : index
          %get3A_173 = tpu.vector_load %arg13[%get3A_171, %get3A_172] {strides = array<i32>} : memref<128x128xf32, #tpu.memory_space<vmem>>, vector<1x16xf32>,
          %get3A_174 = vector.shape_cast %get3A_173 : vector<1x16xf32> to vector<16xf32>
          %mul3A_175 = arith.mulf %get3A_174, %broadcast_in_dim3A_101 : vector<16xf32>
          %swap3A_176 = arith.index_cast %scan3A_97 : i32 to index
          %swap3A_177 = arith.constant 112 : index
          %swap3A_178 = tpu.vector_load %arg13[%swap3A_176, %swap3A_177] {strides = array<i32>} : memref<128x128xf32, #tpu.memory_space<vmem>>, vector<1x16xf32>,
          %swap3A_179 = vector.shape_cast %swap3A_178 : vector<1x16xf32> to vector<16xf32>
          %swap3A_180 = vector.shape_cast %mul3A_175 : vector<16xf32> to vector<1x16xf32>
          tpu.vector_store %arg13[%swap3A_176, %swap3A_177], %swap3A_180 {strides = array<i32>} : memref<128x128xf32, #tpu.memory_space<vmem>>, vector<1x16xf32>,
          %scan3A_181 = arith.constant 0 : i32
          scf.yield %scan3A_181 : i32
        }
        %scan3A_94 = arith.constant 128 : i32
        %run_scoped3A_95 = arith.constant 1 : i32
        "tpu.region"() ({
          %run_scoped3A_97 = tpu.sem_alloc : memref<!tpu.dma_semaphore, #tpu.memory_space<semaphore_mem>>
          %dma_start3A_98 = arith.constant 0 : i32
          %dma_start3A_99 = tpu.memref_slice %arg9[%run_scoped3A_95, %dma_start3A_98] : memref<2x128xi32, #tpu.memory_space<vmem>> -> memref<1x128xi32, #tpu.memory_space<vmem>>
          %dma_start3A_100 = tpu.memref_squeeze %dma_start3A_99 : memref<1x128xi32, #tpu.memory_space<vmem>> -> memref<128xi32, #tpu.memory_space<vmem>>
          %dma_start3A_101 = arith.constant 0 : i32
          %dma_start3A_102 = arith.constant 0 : i32
          %dma_start3A_103 = tpu.memref_slice %arg7[%dma_start3A_101, %dma_start3A_102] : memref<10240x128xf32, #tpu.memory_space<vmem_shared>> -> memref<10240x128xf32, #tpu.memory_space<vmem_shared>>
          tpu.enqueue_indirect_dma source(%arg13 : memref<128x128xf32, #tpu.memory_space<vmem>>) target(%dma_start3A_103 : memref<10240x128xf32, #tpu.memory_space<vmem_shared>>) offsets(%dma_start3A_100 : memref<128xi32, #tpu.memory_space<vmem>>) semaphore(%run_scoped3A_97 : memref<!tpu.dma_semaphore, #tpu.memory_space<semaphore_mem>>) {add = true}
          %dma_wait3A_104 = arith.constant 0 : i32
          %dma_wait3A_105 = tpu.memref_slice %arg9[%run_scoped3A_95, %dma_wait3A_104] : memref<2x128xi32, #tpu.memory_space<vmem>> -> memref<1x128xi32, #tpu.memory_space<vmem>>
          %dma_wait3A_106 = tpu.memref_squeeze %dma_wait3A_105 : memref<1x128xi32, #tpu.memory_space<vmem>> -> memref<128xi32, #tpu.memory_space<vmem>>
          %dma_wait3A_107 = arith.constant 0 : i32
          %dma_wait3A_108 = arith.constant 0 : i32
          %dma_wait3A_109 = tpu.memref_slice %arg7[%dma_wait3A_107, %dma_wait3A_108] : memref<10240x128xf32, #tpu.memory_space<vmem_shared>> -> memref<10240x128xf32, #tpu.memory_space<vmem_shared>>
          tpu.wait_indirect_dma semaphore(%run_scoped3A_97 : memref<!tpu.dma_semaphore, #tpu.memory_space<semaphore_mem>>) src(%arg13 : memref<128x128xf32, #tpu.memory_space<vmem>>) dst(%dma_wait3A_109 : memref<10240x128xf32, #tpu.memory_space<vmem_shared>>)
          tpu.yield
        }) : () -> ()
        %run_scoped3A_96 = arith.constant 1 : i32
        "tpu.region"() ({
          %run_scoped3A_97 = tpu.sem_alloc : memref<!tpu.dma_semaphore, #tpu.memory_space<semaphore_mem>>
          %dma_start3A_98 = arith.constant 0 : i32
          %dma_start3A_99 = tpu.memref_slice %arg11[%dma_start3A_98] : memref<144xf32, #tpu.memory_space<vmem>> -> memref<128xf32, #tpu.memory_space<vmem>>
          %dma_start3A_100 = arith.constant 0 : i32
          %dma_start3A_101 = tpu.memref_slice %arg9[%run_scoped3A_96, %dma_start3A_100] : memref<2x128xi32, #tpu.memory_space<vmem>> -> memref<1x128xi32, #tpu.memory_space<vmem>>
          %dma_start3A_102 = tpu.memref_squeeze %dma_start3A_101 : memref<1x128xi32, #tpu.memory_space<vmem>> -> memref<128xi32, #tpu.memory_space<vmem>>
          %dma_start3A_103 = arith.constant 0 : i32
          %dma_start3A_104 = tpu.memref_slice %arg8[%dma_start3A_103] : memref<10240xf32, #tpu.memory_space<vmem_shared>> -> memref<10240xf32, #tpu.memory_space<vmem_shared>>
          tpu.enqueue_indirect_dma source(%dma_start3A_99 : memref<128xf32, #tpu.memory_space<vmem>>) target(%dma_start3A_104 : memref<10240xf32, #tpu.memory_space<vmem_shared>>) offsets(%dma_start3A_102 : memref<128xi32, #tpu.memory_space<vmem>>) semaphore(%run_scoped3A_97 : memref<!tpu.dma_semaphore, #tpu.memory_space<semaphore_mem>>) {add = true}
          %dma_wait3A_105 = arith.constant 0 : i32
          %dma_wait3A_106 = tpu.memref_slice %arg11[%dma_wait3A_105] : memref<144xf32, #tpu.memory_space<vmem>> -> memref<128xf32, #tpu.memory_space<vmem>>
          %dma_wait3A_107 = arith.constant 0 : i32
          %dma_wait3A_108 = tpu.memref_slice %arg9[%run_scoped3A_96, %dma_wait3A_107] : memref<2x128xi32, #tpu.memory_space<vmem>> -> memref<1x128xi32, #tpu.memory_space<vmem>>
          %dma_wait3A_109 = tpu.memref_squeeze %dma_wait3A_108 : memref<1x128xi32, #tpu.memory_space<vmem>> -> memref<128xi32, #tpu.memory_space<vmem>>
          %dma_wait3A_110 = arith.constant 0 : i32
          %dma_wait3A_111 = tpu.memref_slice %arg8[%dma_wait3A_110] : memref<10240xf32, #tpu.memory_space<vmem_shared>> -> memref<10240xf32, #tpu.memory_space<vmem_shared>>
          tpu.wait_indirect_dma semaphore(%run_scoped3A_97 : memref<!tpu.dma_semaphore, #tpu.memory_space<semaphore_mem>>) src(%dma_wait3A_106 : memref<128xf32, #tpu.memory_space<vmem>>) dst(%dma_wait3A_111 : memref<10240xf32, #tpu.memory_space<vmem_shared>>)
          tpu.yield
        }) : () -> ()
      } else {
      }
      %lt3A_71 = arith.constant 2500 : i32
      %lt3A_72 = arith.cmpi slt, %add3A_63, %lt3A_71 : i32
      %convert_element_type3A_73 = arith.extui %lt3A_72 : i1 to i32
      %cond3A_74 = arith.constant 0 : i32
      %cond3A_75 = arith.cmpi ne, %convert_element_type3A_73, %cond3A_74 : i32
      scf.if %cond3A_75 {
        "tpu.region"() ({
          %run_scoped3A_91 = tpu.sem_alloc : memref<!tpu.dma_semaphore, #tpu.memory_space<semaphore_mem>>
          %dma_start3A_92 = arith.constant 0 : i32
          %dma_start3A_93 = arith.constant 0 : i32
          %dma_start3A_94 = tpu.memref_slice %arg3[%add3A_63, %dma_start3A_92, %dma_start3A_93] : memref<2500x2x128xi32, #tpu.memory_space<hbm>> -> memref<1x2x128xi32, #tpu.memory_space<hbm>>
          %dma_start3A_95 = tpu.memref_squeeze %dma_start3A_94 : memref<1x2x128xi32, #tpu.memory_space<hbm>> -> memref<2x128xi32, #tpu.memory_space<hbm>>
          %dma_start3A_96 = arith.constant 0 : i32
          %dma_start3A_97 = arith.constant 0 : i32
          %dma_start3A_98 = tpu.memref_slice %arg3[%add3A_63, %dma_start3A_96, %dma_start3A_97] : memref<2500x2x128xi32, #tpu.memory_space<hbm>> -> memref<1x2x128xi32, #tpu.memory_space<hbm>>
          %dma_start3A_99 = tpu.memref_squeeze %dma_start3A_98 : memref<1x2x128xi32, #tpu.memory_space<hbm>> -> memref<2x128xi32, #tpu.memory_space<hbm>>
          tpu.enqueue_dma source(%dma_start3A_99 : memref<2x128xi32, #tpu.memory_space<hbm>>) target(%arg9 : memref<2x128xi32, #tpu.memory_space<vmem>>) target_semaphore(%run_scoped3A_91 : memref<!tpu.dma_semaphore, #tpu.memory_space<semaphore_mem>>)
          %dma_wait3A = arith.constant 0 : i32
          %dma_wait3A_100 = arith.constant 0 : i32
          %dma_wait3A_101 = tpu.memref_slice %arg3[%add3A_63, %dma_wait3A, %dma_wait3A_100] : memref<2500x2x128xi32, #tpu.memory_space<hbm>> -> memref<1x2x128xi32, #tpu.memory_space<hbm>>
          %dma_wait3A_102 = tpu.memref_squeeze %dma_wait3A_101 : memref<1x2x128xi32, #tpu.memory_space<hbm>> -> memref<2x128xi32, #tpu.memory_space<hbm>>
          %dma_wait3A_103 = arith.constant 0 : i32
          %dma_wait3A_104 = arith.constant 0 : i32
          %dma_wait3A_105 = tpu.memref_slice %arg3[%add3A_63, %dma_wait3A_103, %dma_wait3A_104] : memref<2500x2x128xi32, #tpu.memory_space<hbm>> -> memref<1x2x128xi32, #tpu.memory_space<hbm>>
          %dma_wait3A_106 = tpu.memref_squeeze %dma_wait3A_105 : memref<1x2x128xi32, #tpu.memory_space<hbm>> -> memref<2x128xi32, #tpu.memory_space<hbm>>
          tpu.wait_dma2 semaphore(%run_scoped3A_91 : memref<!tpu.dma_semaphore, #tpu.memory_space<semaphore_mem>>) src(%dma_wait3A_106 : memref<2x128xi32, #tpu.memory_space<hbm>>) dst(%arg9 : memref<2x128xi32, #tpu.memory_space<vmem>>)
          tpu.yield
        }) : () -> ()
        %mul3A_82 = arith.constant 128 : i32
        %mul3A_83 = arith.muli %add3A_63, %mul3A_82 : i32
        "tpu.region"() ({
          %run_scoped3A_91 = tpu.sem_alloc : memref<!tpu.dma_semaphore, #tpu.memory_space<semaphore_mem>>
          %dma_start3A_92 = arith.constant 0 : i32
          %dma_start3A_93 = tpu.memref_slice %arg11[%dma_start3A_92] : memref<144xf32, #tpu.memory_space<vmem>> -> memref<128xf32, #tpu.memory_space<vmem>>
          %dma_start3A_94 = tpu.memref_slice %arg4[%mul3A_83] : memref<320000xf32, #tpu.memory_space<hbm>> -> memref<128xf32, #tpu.memory_space<hbm>>
          %dma_start3A_95 = arith.constant 0 : i32
          %dma_start3A_96 = tpu.memref_slice %arg11[%dma_start3A_95] : memref<144xf32, #tpu.memory_space<vmem>> -> memref<128xf32, #tpu.memory_space<vmem>>
          %dma_start3A_97 = tpu.memref_slice %arg4[%mul3A_83] : memref<320000xf32, #tpu.memory_space<hbm>> -> memref<128xf32, #tpu.memory_space<hbm>>
          tpu.enqueue_dma source(%dma_start3A_97 : memref<128xf32, #tpu.memory_space<hbm>>) target(%dma_start3A_96 : memref<128xf32, #tpu.memory_space<vmem>>) target_semaphore(%run_scoped3A_91 : memref<!tpu.dma_semaphore, #tpu.memory_space<semaphore_mem>>)
          %dma_wait3A = arith.constant 0 : i32
          %dma_wait3A_98 = tpu.memref_slice %arg11[%dma_wait3A] : memref<144xf32, #tpu.memory_space<vmem>> -> memref<128xf32, #tpu.memory_space<vmem>>
          %dma_wait3A_99 = tpu.memref_slice %arg4[%mul3A_83] : memref<320000xf32, #tpu.memory_space<hbm>> -> memref<128xf32, #tpu.memory_space<hbm>>
          %dma_wait3A_100 = arith.constant 0 : i32
          %dma_wait3A_101 = tpu.memref_slice %arg11[%dma_wait3A_100] : memref<144xf32, #tpu.memory_space<vmem>> -> memref<128xf32, #tpu.memory_space<vmem>>
          %dma_wait3A_102 = tpu.memref_slice %arg4[%mul3A_83] : memref<320000xf32, #tpu.memory_space<hbm>> -> memref<128xf32, #tpu.memory_space<hbm>>
          tpu.wait_dma2 semaphore(%run_scoped3A_91 : memref<!tpu.dma_semaphore, #tpu.memory_space<semaphore_mem>>) src(%dma_wait3A_102 : memref<128xf32, #tpu.memory_space<hbm>>) dst(%dma_wait3A_101 : memref<128xf32, #tpu.memory_space<vmem>>)
          tpu.yield
        }) : () -> ()
        %dma_start3A_84 = arith.constant 0 : i32
        %dma_start3A_85 = arith.constant 0 : i32
        %dma_start3A_86 = tpu.memref_slice %arg9[%dma_start3A_84, %dma_start3A_85] : memref<2x128xi32, #tpu.memory_space<vmem>> -> memref<1x128xi32, #tpu.memory_space<vmem>>
        %dma_start3A_87 = tpu.memref_squeeze %dma_start3A_86 : memref<1x128xi32, #tpu.memory_space<vmem>> -> memref<128xi32, #tpu.memory_space<vmem>>
        %dma_start3A_88 = arith.constant 0 : i32
        %dma_start3A_89 = arith.constant 0 : i32
        %dma_start3A_90 = tpu.memref_slice %arg2[%dma_start3A_88, %dma_start3A_89] : memref<10000x128xf32, #tpu.memory_space<hbm>> -> memref<10000x128xf32, #tpu.memory_space<hbm>>
        tpu.enqueue_indirect_dma source(%dma_start3A_90 : memref<10000x128xf32, #tpu.memory_space<hbm>>) target(%arg13 : memref<128x128xf32, #tpu.memory_space<vmem>>) offsets(%dma_start3A_87 : memref<128xi32, #tpu.memory_space<vmem>>) semaphore(%arg15 : memref<!tpu.dma_semaphore, #tpu.memory_space<semaphore_mem>>)
      } else {
      }
      %lt3A_76 = arith.constant 2500 : i32
      %lt3A_77 = arith.cmpi slt, %add3A_61, %lt3A_76 : i32
      %convert_element_type3A_78 = arith.extui %lt3A_77 : i1 to i32
      %cond3A_79 = arith.constant 0 : i32
      %cond3A_80 = arith.cmpi ne, %convert_element_type3A_78, %cond3A_79 : i32
      scf.if %cond3A_80 {
        %dma_wait3A = arith.constant 0 : i32
        %dma_wait3A_82 = arith.constant 0 : i32
        %dma_wait3A_83 = tpu.memref_slice %arg10[%dma_wait3A, %dma_wait3A_82] : memref<2x128xi32, #tpu.memory_space<vmem>> -> memref<1x128xi32, #tpu.memory_space<vmem>>
        %dma_wait3A_84 = tpu.memref_squeeze %dma_wait3A_83 : memref<1x128xi32, #tpu.memory_space<vmem>> -> memref<128xi32, #tpu.memory_space<vmem>>
        %dma_wait3A_85 = arith.constant 0 : i32
        %dma_wait3A_86 = arith.constant 0 : i32
        %dma_wait3A_87 = tpu.memref_slice %arg2[%dma_wait3A_85, %dma_wait3A_86] : memref<10000x128xf32, #tpu.memory_space<hbm>> -> memref<10000x128xf32, #tpu.memory_space<hbm>>
        tpu.wait_indirect_dma semaphore(%arg16 : memref<!tpu.dma_semaphore, #tpu.memory_space<semaphore_mem>>) src(%dma_wait3A_87 : memref<10000x128xf32, #tpu.memory_space<hbm>>) dst(%arg14 : memref<128x128xf32, #tpu.memory_space<vmem>>)
        %scan3A_88 = arith.constant 0 : i32
        %scan3A_89 = arith.constant 0 : i32
        %scan3A_90 = arith.constant 128 : i32
        %scan3A_91 = arith.addi %scan3A_89, %scan3A_90 : i32
        %scan3A_92 = arith.constant 1 : i32
        %scan3A_93 = scf.for %scan3A_97 = %scan3A_89 to %scan3A_91 step %scan3A_92 iter_args(%scan3A_98 = %scan3A_88) -> (i32)  : i32 {
          %get3A = arith.index_cast %scan3A_97 : i32 to index
          %get3A_99 = tpu.vector_load %arg12[%get3A] {strides = array<i32>} : memref<144xf32, #tpu.memory_space<vmem>>, vector<16xf32>,
          %get3A_100 = vector.shape_cast %get3A_99 : vector<16xf32> to vector<16xf32>
          %slice3A = vector.extract_strided_slice %get3A_100 {offsets = [0], sizes = [1], strides = [1]} : vector<16xf32> to vector<1xf32>
          %squeeze3A = vector.extract %slice3A[0] : f32 from vector<1xf32>
          %broadcast_in_dim3A_101 = vector.broadcast %squeeze3A : f32 to vector<16xf32>
          %get3A_102 = arith.index_cast %scan3A_97 : i32 to index
          %get3A_103 = arith.constant 0 : index
          %get3A_104 = tpu.vector_load %arg14[%get3A_102, %get3A_103] {strides = array<i32>} : memref<128x128xf32, #tpu.memory_space<vmem>>, vector<1x16xf32>,
          %get3A_105 = vector.shape_cast %get3A_104 : vector<1x16xf32> to vector<16xf32>
          %mul3A_106 = arith.mulf %get3A_105, %broadcast_in_dim3A_101 : vector<16xf32>
          %swap3A = arith.index_cast %scan3A_97 : i32 to index
          %swap3A_107 = arith.constant 0 : index
          %swap3A_108 = tpu.vector_load %arg14[%swap3A, %swap3A_107] {strides = array<i32>} : memref<128x128xf32, #tpu.memory_space<vmem>>, vector<1x16xf32>,
          %swap3A_109 = vector.shape_cast %swap3A_108 : vector<1x16xf32> to vector<16xf32>
          %swap3A_110 = vector.shape_cast %mul3A_106 : vector<16xf32> to vector<1x16xf32>
          tpu.vector_store %arg14[%swap3A, %swap3A_107], %swap3A_110 {strides = array<i32>} : memref<128x128xf32, #tpu.memory_space<vmem>>, vector<1x16xf32>,
          %get3A_111 = arith.index_cast %scan3A_97 : i32 to index
          %get3A_112 = arith.constant 16 : index
          %get3A_113 = tpu.vector_load %arg14[%get3A_111, %get3A_112] {strides = array<i32>} : memref<128x128xf32, #tpu.memory_space<vmem>>, vector<1x16xf32>,
          %get3A_114 = vector.shape_cast %get3A_113 : vector<1x16xf32> to vector<16xf32>
          %mul3A_115 = arith.mulf %get3A_114, %broadcast_in_dim3A_101 : vector<16xf32>
          %swap3A_116 = arith.index_cast %scan3A_97 : i32 to index
          %swap3A_117 = arith.constant 16 : index
          %swap3A_118 = tpu.vector_load %arg14[%swap3A_116, %swap3A_117] {strides = array<i32>} : memref<128x128xf32, #tpu.memory_space<vmem>>, vector<1x16xf32>,
          %swap3A_119 = vector.shape_cast %swap3A_118 : vector<1x16xf32> to vector<16xf32>
          %swap3A_120 = vector.shape_cast %mul3A_115 : vector<16xf32> to vector<1x16xf32>
          tpu.vector_store %arg14[%swap3A_116, %swap3A_117], %swap3A_120 {strides = array<i32>} : memref<128x128xf32, #tpu.memory_space<vmem>>, vector<1x16xf32>,
          %get3A_121 = arith.index_cast %scan3A_97 : i32 to index
          %get3A_122 = arith.constant 32 : index
          %get3A_123 = tpu.vector_load %arg14[%get3A_121, %get3A_122] {strides = array<i32>} : memref<128x128xf32, #tpu.memory_space<vmem>>, vector<1x16xf32>,
          %get3A_124 = vector.shape_cast %get3A_123 : vector<1x16xf32> to vector<16xf32>
          %mul3A_125 = arith.mulf %get3A_124, %broadcast_in_dim3A_101 : vector<16xf32>
          %swap3A_126 = arith.index_cast %scan3A_97 : i32 to index
          %swap3A_127 = arith.constant 32 : index
          %swap3A_128 = tpu.vector_load %arg14[%swap3A_126, %swap3A_127] {strides = array<i32>} : memref<128x128xf32, #tpu.memory_space<vmem>>, vector<1x16xf32>,
          %swap3A_129 = vector.shape_cast %swap3A_128 : vector<1x16xf32> to vector<16xf32>
          %swap3A_130 = vector.shape_cast %mul3A_125 : vector<16xf32> to vector<1x16xf32>
          tpu.vector_store %arg14[%swap3A_126, %swap3A_127], %swap3A_130 {strides = array<i32>} : memref<128x128xf32, #tpu.memory_space<vmem>>, vector<1x16xf32>,
          %get3A_131 = arith.index_cast %scan3A_97 : i32 to index
          %get3A_132 = arith.constant 48 : index
          %get3A_133 = tpu.vector_load %arg14[%get3A_131, %get3A_132] {strides = array<i32>} : memref<128x128xf32, #tpu.memory_space<vmem>>, vector<1x16xf32>,
          %get3A_134 = vector.shape_cast %get3A_133 : vector<1x16xf32> to vector<16xf32>
          %mul3A_135 = arith.mulf %get3A_134, %broadcast_in_dim3A_101 : vector<16xf32>
          %swap3A_136 = arith.index_cast %scan3A_97 : i32 to index
          %swap3A_137 = arith.constant 48 : index
          %swap3A_138 = tpu.vector_load %arg14[%swap3A_136, %swap3A_137] {strides = array<i32>} : memref<128x128xf32, #tpu.memory_space<vmem>>, vector<1x16xf32>,
          %swap3A_139 = vector.shape_cast %swap3A_138 : vector<1x16xf32> to vector<16xf32>
          %swap3A_140 = vector.shape_cast %mul3A_135 : vector<16xf32> to vector<1x16xf32>
          tpu.vector_store %arg14[%swap3A_136, %swap3A_137], %swap3A_140 {strides = array<i32>} : memref<128x128xf32, #tpu.memory_space<vmem>>, vector<1x16xf32>,
          %get3A_141 = arith.index_cast %scan3A_97 : i32 to index
          %get3A_142 = arith.constant 64 : index
          %get3A_143 = tpu.vector_load %arg14[%get3A_141, %get3A_142] {strides = array<i32>} : memref<128x128xf32, #tpu.memory_space<vmem>>, vector<1x16xf32>,
          %get3A_144 = vector.shape_cast %get3A_143 : vector<1x16xf32> to vector<16xf32>
          %mul3A_145 = arith.mulf %get3A_144, %broadcast_in_dim3A_101 : vector<16xf32>
          %swap3A_146 = arith.index_cast %scan3A_97 : i32 to index
          %swap3A_147 = arith.constant 64 : index
          %swap3A_148 = tpu.vector_load %arg14[%swap3A_146, %swap3A_147] {strides = array<i32>} : memref<128x128xf32, #tpu.memory_space<vmem>>, vector<1x16xf32>,
          %swap3A_149 = vector.shape_cast %swap3A_148 : vector<1x16xf32> to vector<16xf32>
          %swap3A_150 = vector.shape_cast %mul3A_145 : vector<16xf32> to vector<1x16xf32>
          tpu.vector_store %arg14[%swap3A_146, %swap3A_147], %swap3A_150 {strides = array<i32>} : memref<128x128xf32, #tpu.memory_space<vmem>>, vector<1x16xf32>,
          %get3A_151 = arith.index_cast %scan3A_97 : i32 to index
          %get3A_152 = arith.constant 80 : index
          %get3A_153 = tpu.vector_load %arg14[%get3A_151, %get3A_152] {strides = array<i32>} : memref<128x128xf32, #tpu.memory_space<vmem>>, vector<1x16xf32>,
          %get3A_154 = vector.shape_cast %get3A_153 : vector<1x16xf32> to vector<16xf32>
          %mul3A_155 = arith.mulf %get3A_154, %broadcast_in_dim3A_101 : vector<16xf32>
          %swap3A_156 = arith.index_cast %scan3A_97 : i32 to index
          %swap3A_157 = arith.constant 80 : index
          %swap3A_158 = tpu.vector_load %arg14[%swap3A_156, %swap3A_157] {strides = array<i32>} : memref<128x128xf32, #tpu.memory_space<vmem>>, vector<1x16xf32>,
          %swap3A_159 = vector.shape_cast %swap3A_158 : vector<1x16xf32> to vector<16xf32>
          %swap3A_160 = vector.shape_cast %mul3A_155 : vector<16xf32> to vector<1x16xf32>
          tpu.vector_store %arg14[%swap3A_156, %swap3A_157], %swap3A_160 {strides = array<i32>} : memref<128x128xf32, #tpu.memory_space<vmem>>, vector<1x16xf32>,
          %get3A_161 = arith.index_cast %scan3A_97 : i32 to index
          %get3A_162 = arith.constant 96 : index
          %get3A_163 = tpu.vector_load %arg14[%get3A_161, %get3A_162] {strides = array<i32>} : memref<128x128xf32, #tpu.memory_space<vmem>>, vector<1x16xf32>,
          %get3A_164 = vector.shape_cast %get3A_163 : vector<1x16xf32> to vector<16xf32>
          %mul3A_165 = arith.mulf %get3A_164, %broadcast_in_dim3A_101 : vector<16xf32>
          %swap3A_166 = arith.index_cast %scan3A_97 : i32 to index
          %swap3A_167 = arith.constant 96 : index
          %swap3A_168 = tpu.vector_load %arg14[%swap3A_166, %swap3A_167] {strides = array<i32>} : memref<128x128xf32, #tpu.memory_space<vmem>>, vector<1x16xf32>,
          %swap3A_169 = vector.shape_cast %swap3A_168 : vector<1x16xf32> to vector<16xf32>
          %swap3A_170 = vector.shape_cast %mul3A_165 : vector<16xf32> to vector<1x16xf32>
          tpu.vector_store %arg14[%swap3A_166, %swap3A_167], %swap3A_170 {strides = array<i32>} : memref<128x128xf32, #tpu.memory_space<vmem>>, vector<1x16xf32>,
          %get3A_171 = arith.index_cast %scan3A_97 : i32 to index
          %get3A_172 = arith.constant 112 : index
          %get3A_173 = tpu.vector_load %arg14[%get3A_171, %get3A_172] {strides = array<i32>} : memref<128x128xf32, #tpu.memory_space<vmem>>, vector<1x16xf32>,
          %get3A_174 = vector.shape_cast %get3A_173 : vector<1x16xf32> to vector<16xf32>
          %mul3A_175 = arith.mulf %get3A_174, %broadcast_in_dim3A_101 : vector<16xf32>
          %swap3A_176 = arith.index_cast %scan3A_97 : i32 to index
          %swap3A_177 = arith.constant 112 : index
          %swap3A_178 = tpu.vector_load %arg14[%swap3A_176, %swap3A_177] {strides = array<i32>} : memref<128x128xf32, #tpu.memory_space<vmem>>, vector<1x16xf32>,
          %swap3A_179 = vector.shape_cast %swap3A_178 : vector<1x16xf32> to vector<16xf32>
          %swap3A_180 = vector.shape_cast %mul3A_175 : vector<16xf32> to vector<1x16xf32>
          tpu.vector_store %arg14[%swap3A_176, %swap3A_177], %swap3A_180 {strides = array<i32>} : memref<128x128xf32, #tpu.memory_space<vmem>>, vector<1x16xf32>,
          %scan3A_181 = arith.constant 0 : i32
          scf.yield %scan3A_181 : i32
        }
        %scan3A_94 = arith.constant 128 : i32
        %run_scoped3A_95 = arith.constant 1 : i32
        "tpu.region"() ({
          %run_scoped3A_97 = tpu.sem_alloc : memref<!tpu.dma_semaphore, #tpu.memory_space<semaphore_mem>>
          %dma_start3A_98 = arith.constant 0 : i32
          %dma_start3A_99 = tpu.memref_slice %arg10[%run_scoped3A_95, %dma_start3A_98] : memref<2x128xi32, #tpu.memory_space<vmem>> -> memref<1x128xi32, #tpu.memory_space<vmem>>
          %dma_start3A_100 = tpu.memref_squeeze %dma_start3A_99 : memref<1x128xi32, #tpu.memory_space<vmem>> -> memref<128xi32, #tpu.memory_space<vmem>>
          %dma_start3A_101 = arith.constant 0 : i32
          %dma_start3A_102 = arith.constant 0 : i32
          %dma_start3A_103 = tpu.memref_slice %arg7[%dma_start3A_101, %dma_start3A_102] : memref<10240x128xf32, #tpu.memory_space<vmem_shared>> -> memref<10240x128xf32, #tpu.memory_space<vmem_shared>>
          tpu.enqueue_indirect_dma source(%arg14 : memref<128x128xf32, #tpu.memory_space<vmem>>) target(%dma_start3A_103 : memref<10240x128xf32, #tpu.memory_space<vmem_shared>>) offsets(%dma_start3A_100 : memref<128xi32, #tpu.memory_space<vmem>>) semaphore(%run_scoped3A_97 : memref<!tpu.dma_semaphore, #tpu.memory_space<semaphore_mem>>) {add = true}
          %dma_wait3A_104 = arith.constant 0 : i32
          %dma_wait3A_105 = tpu.memref_slice %arg10[%run_scoped3A_95, %dma_wait3A_104] : memref<2x128xi32, #tpu.memory_space<vmem>> -> memref<1x128xi32, #tpu.memory_space<vmem>>
          %dma_wait3A_106 = tpu.memref_squeeze %dma_wait3A_105 : memref<1x128xi32, #tpu.memory_space<vmem>> -> memref<128xi32, #tpu.memory_space<vmem>>
          %dma_wait3A_107 = arith.constant 0 : i32
          %dma_wait3A_108 = arith.constant 0 : i32
          %dma_wait3A_109 = tpu.memref_slice %arg7[%dma_wait3A_107, %dma_wait3A_108] : memref<10240x128xf32, #tpu.memory_space<vmem_shared>> -> memref<10240x128xf32, #tpu.memory_space<vmem_shared>>
          tpu.wait_indirect_dma semaphore(%run_scoped3A_97 : memref<!tpu.dma_semaphore, #tpu.memory_space<semaphore_mem>>) src(%arg14 : memref<128x128xf32, #tpu.memory_space<vmem>>) dst(%dma_wait3A_109 : memref<10240x128xf32, #tpu.memory_space<vmem_shared>>)
          tpu.yield
        }) : () -> ()
        %run_scoped3A_96 = arith.constant 1 : i32
        "tpu.region"() ({
          %run_scoped3A_97 = tpu.sem_alloc : memref<!tpu.dma_semaphore, #tpu.memory_space<semaphore_mem>>
          %dma_start3A_98 = arith.constant 0 : i32
          %dma_start3A_99 = tpu.memref_slice %arg12[%dma_start3A_98] : memref<144xf32, #tpu.memory_space<vmem>> -> memref<128xf32, #tpu.memory_space<vmem>>
          %dma_start3A_100 = arith.constant 0 : i32
          %dma_start3A_101 = tpu.memref_slice %arg10[%run_scoped3A_96, %dma_start3A_100] : memref<2x128xi32, #tpu.memory_space<vmem>> -> memref<1x128xi32, #tpu.memory_space<vmem>>
          %dma_start3A_102 = tpu.memref_squeeze %dma_start3A_101 : memref<1x128xi32, #tpu.memory_space<vmem>> -> memref<128xi32, #tpu.memory_space<vmem>>
          %dma_start3A_103 = arith.constant 0 : i32
          %dma_start3A_104 = tpu.memref_slice %arg8[%dma_start3A_103] : memref<10240xf32, #tpu.memory_space<vmem_shared>> -> memref<10240xf32, #tpu.memory_space<vmem_shared>>
          tpu.enqueue_indirect_dma source(%dma_start3A_99 : memref<128xf32, #tpu.memory_space<vmem>>) target(%dma_start3A_104 : memref<10240xf32, #tpu.memory_space<vmem_shared>>) offsets(%dma_start3A_102 : memref<128xi32, #tpu.memory_space<vmem>>) semaphore(%run_scoped3A_97 : memref<!tpu.dma_semaphore, #tpu.memory_space<semaphore_mem>>) {add = true}
          %dma_wait3A_105 = arith.constant 0 : i32
          %dma_wait3A_106 = tpu.memref_slice %arg12[%dma_wait3A_105] : memref<144xf32, #tpu.memory_space<vmem>> -> memref<128xf32, #tpu.memory_space<vmem>>
          %dma_wait3A_107 = arith.constant 0 : i32
          %dma_wait3A_108 = tpu.memref_slice %arg10[%run_scoped3A_96, %dma_wait3A_107] : memref<2x128xi32, #tpu.memory_space<vmem>> -> memref<1x128xi32, #tpu.memory_space<vmem>>
          %dma_wait3A_109 = tpu.memref_squeeze %dma_wait3A_108 : memref<1x128xi32, #tpu.memory_space<vmem>> -> memref<128xi32, #tpu.memory_space<vmem>>
          %dma_wait3A_110 = arith.constant 0 : i32
          %dma_wait3A_111 = tpu.memref_slice %arg8[%dma_wait3A_110] : memref<10240xf32, #tpu.memory_space<vmem_shared>> -> memref<10240xf32, #tpu.memory_space<vmem_shared>>
          tpu.wait_indirect_dma semaphore(%run_scoped3A_97 : memref<!tpu.dma_semaphore, #tpu.memory_space<semaphore_mem>>) src(%dma_wait3A_106 : memref<128xf32, #tpu.memory_space<vmem>>) dst(%dma_wait3A_111 : memref<10240xf32, #tpu.memory_space<vmem_shared>>)
          tpu.yield
        }) : () -> ()
      } else {
      }
      %scan3A_81 = arith.constant 0 : i32
      scf.yield %scan3A_81 : i32
    }
    %scan3A_48 = arith.constant 40 : i32
    %barrier3A_49 = arith.constant 0 : index
    tpu.barrier barrier_id(%barrier3A_49)
    "tpu.region"() ({
      %run_scoped3A_53 = tpu.sem_alloc : memref<!tpu.dma_semaphore, #tpu.memory_space<semaphore_mem>>
      %dma_start3A_54 = arith.constant 0 : i32
      %dma_start3A_55 = arith.constant 0 : i32
      %dma_start3A_56 = tpu.memref_slice %arg5[%arg0, %dma_start3A_54, %dma_start3A_55] : memref<2x10240x128xf32, #tpu.memory_space<hbm>> -> memref<1x10240x128xf32, #tpu.memory_space<hbm>>
      %dma_start3A_57 = tpu.memref_squeeze %dma_start3A_56 : memref<1x10240x128xf32, #tpu.memory_space<hbm>> -> memref<10240x128xf32, #tpu.memory_space<hbm>>
      %dma_start3A_58 = arith.constant 0 : i32
      %dma_start3A_59 = tpu.memref_slice %dma_start3A_57[%mul3A_9, %dma_start3A_58] : memref<10240x128xf32, #tpu.memory_space<hbm>> -> memref<640x128xf32, #tpu.memory_space<hbm>>
      %dma_start3A_60 = arith.constant 0 : i32
      %dma_start3A_61 = tpu.memref_slice %arg7[%mul3A_9, %dma_start3A_60] : memref<10240x128xf32, #tpu.memory_space<vmem_shared>> -> memref<640x128xf32, #tpu.memory_space<vmem_shared>>
      tpu.enqueue_dma source(%dma_start3A_61 : memref<640x128xf32, #tpu.memory_space<vmem_shared>>) target(%dma_start3A_59 : memref<640x128xf32, #tpu.memory_space<hbm>>) target_semaphore(%run_scoped3A_53 : memref<!tpu.dma_semaphore, #tpu.memory_space<semaphore_mem>>)
      %dma_wait3A = arith.constant 0 : i32
      %dma_wait3A_62 = arith.constant 0 : i32
      %dma_wait3A_63 = tpu.memref_slice %arg5[%arg0, %dma_wait3A, %dma_wait3A_62] : memref<2x10240x128xf32, #tpu.memory_space<hbm>> -> memref<1x10240x128xf32, #tpu.memory_space<hbm>>
      %dma_wait3A_64 = tpu.memref_squeeze %dma_wait3A_63 : memref<1x10240x128xf32, #tpu.memory_space<hbm>> -> memref<10240x128xf32, #tpu.memory_space<hbm>>
      %dma_wait3A_65 = arith.constant 0 : i32
      %dma_wait3A_66 = tpu.memref_slice %dma_wait3A_64[%mul3A_9, %dma_wait3A_65] : memref<10240x128xf32, #tpu.memory_space<hbm>> -> memref<640x128xf32, #tpu.memory_space<hbm>>
      %dma_wait3A_67 = arith.constant 0 : i32
      %dma_wait3A_68 = tpu.memref_slice %arg7[%mul3A_9, %dma_wait3A_67] : memref<10240x128xf32, #tpu.memory_space<vmem_shared>> -> memref<640x128xf32, #tpu.memory_space<vmem_shared>>
      tpu.wait_dma2 semaphore(%run_scoped3A_53 : memref<!tpu.dma_semaphore, #tpu.memory_space<semaphore_mem>>) src(%dma_wait3A_68 : memref<640x128xf32, #tpu.memory_space<vmem_shared>>) dst(%dma_wait3A_66 : memref<640x128xf32, #tpu.memory_space<hbm>>)
      tpu.yield
    }) : () -> ()
    %mul3A_50 = arith.constant 10240 : i32
    %mul3A_51 = arith.muli %arg0, %mul3A_50 : i32
    %add3A_52 = arith.addi %mul3A_51, %mul3A_9 : i32
    "tpu.region"() ({
      %run_scoped3A_53 = tpu.sem_alloc : memref<!tpu.dma_semaphore, #tpu.memory_space<semaphore_mem>>
      %dma_start3A_54 = tpu.memref_slice %arg6[%add3A_52] : memref<20480xf32, #tpu.memory_space<hbm>> -> memref<640xf32, #tpu.memory_space<hbm>>
      %dma_start3A_55 = tpu.memref_slice %arg8[%mul3A_9] : memref<10240xf32, #tpu.memory_space<vmem_shared>> -> memref<640xf32, #tpu.memory_space<vmem_shared>>
      tpu.enqueue_dma source(%dma_start3A_55 : memref<640xf32, #tpu.memory_space<vmem_shared>>) target(%dma_start3A_54 : memref<640xf32, #tpu.memory_space<hbm>>) target_semaphore(%run_scoped3A_53 : memref<!tpu.dma_semaphore, #tpu.memory_space<semaphore_mem>>)
      %dma_wait3A = tpu.memref_slice %arg6[%add3A_52] : memref<20480xf32, #tpu.memory_space<hbm>> -> memref<640xf32, #tpu.memory_space<hbm>>
      %dma_wait3A_56 = tpu.memref_slice %arg8[%mul3A_9] : memref<10240xf32, #tpu.memory_space<vmem_shared>> -> memref<640xf32, #tpu.memory_space<vmem_shared>>
      tpu.wait_dma2 semaphore(%run_scoped3A_53 : memref<!tpu.dma_semaphore, #tpu.memory_space<semaphore_mem>>) src(%dma_wait3A_56 : memref<640xf32, #tpu.memory_space<vmem_shared>>) dst(%dma_wait3A : memref<640xf32, #tpu.memory_space<hbm>>)
      tpu.yield
    }) : () -> ()
    return
  }
}

#map = affine_map<(d0, d1) -> (0, 0)>
#map1 = affine_map<(d0, d1) -> (0)>
#map2 = affine_map<(d0, d1) -> (0, 0, 0)>
module attributes {stable_mosaic.version = 14 : i64} {
  func.func @_combine_body(%arg0: i32, %arg1: i32, %arg2: memref<10000x128xf32, #tpu.memory_space<hbm>>, %arg3: memref<10000x128xf32, #tpu.memory_space<hbm>>, %arg4: memref<10240xi32, #tpu.memory_space<hbm>>, %arg5: memref<2x10240x128xf32, #tpu.memory_space<hbm>>, %arg6: memref<20480xf32, #tpu.memory_space<hbm>>, %arg7: memref<10000x128xf32, #tpu.memory_space<hbm>>, %arg8: memref<128xi32, #tpu.memory_space<vmem>>, %arg9: memref<128x128xf32, #tpu.memory_space<vmem>>, %arg10: memref<128x128xf32, #tpu.memory_space<vmem>>, %arg11: memref<128x128xf32, #tpu.memory_space<vmem>>, %arg12: memref<128x128xf32, #tpu.memory_space<vmem>>, %arg13: memref<144xf32, #tpu.memory_space<vmem>>, %arg14: memref<144xf32, #tpu.memory_space<vmem>>, %arg15: memref<128x128xf32, #tpu.memory_space<vmem>>, %arg16: memref<!tpu.dma_semaphore, #tpu.memory_space<semaphore_mem>>) attributes {dimension_semantics = [#tpu.dimension_semantics<core_parallel>, #tpu.dimension_semantics<subcore_parallel>], iteration_bounds = array<i64: 2, 16>, scalar_prefetch = 0 : i64, scratch_operands = 9 : i64, tpu.core_type = #tpu.core_type<sc_vector_subcore>, window_params = [{transform_indices = #map}, {transform_indices = #map}, {transform_indices = #map1}, {transform_indices = #map2}, {transform_indices = #map1}, {transform_indices = #map}]} {
    %mul3A = arith.constant 2 : i32
    %mul3A_0 = arith.muli %arg1, %mul3A : i32
    %add3A = arith.addi %mul3A_0, %arg0 : i32
    %scan3A = arith.constant 0 : i32
    %scan3A_1 = arith.constant 0 : i32
    %scan3A_2 = arith.constant 3 : i32
    %scan3A_3 = arith.addi %scan3A_1, %scan3A_2 : i32
    %scan3A_4 = arith.constant 1 : i32
    %scan3A_5 = scf.for %scan3A_7 = %scan3A_1 to %scan3A_3 step %scan3A_4 iter_args(%scan3A_8 = %scan3A) -> (i32)  : i32 {
      %mul3A_9 = arith.constant 32 : i32
      %mul3A_10 = arith.muli %scan3A_7, %mul3A_9 : i32
      %add3A_11 = arith.addi %mul3A_10, %add3A : i32
      %lt3A = arith.constant 80 : i32
      %lt3A_12 = arith.cmpi slt, %add3A_11, %lt3A : i32
      %convert_element_type3A = arith.extui %lt3A_12 : i1 to i32
      %cond3A = arith.constant 0 : i32
      %cond3A_13 = arith.cmpi ne, %convert_element_type3A, %cond3A : i32
      scf.if %cond3A_13 {
        %mul3A_15 = arith.constant 128 : i32
        %mul3A_16 = arith.muli %add3A_11, %mul3A_15 : i32
        "tpu.region"() ({
          %run_scoped3A_46 = tpu.sem_alloc : memref<!tpu.dma_semaphore, #tpu.memory_space<semaphore_mem>>
          %dma_start3A_47 = tpu.memref_slice %arg4[%mul3A_16] : memref<10240xi32, #tpu.memory_space<hbm>> -> memref<128xi32, #tpu.memory_space<hbm>>
          %dma_start3A_48 = tpu.memref_slice %arg4[%mul3A_16] : memref<10240xi32, #tpu.memory_space<hbm>> -> memref<128xi32, #tpu.memory_space<hbm>>
          tpu.enqueue_dma source(%dma_start3A_48 : memref<128xi32, #tpu.memory_space<hbm>>) target(%arg8 : memref<128xi32, #tpu.memory_space<vmem>>) target_semaphore(%run_scoped3A_46 : memref<!tpu.dma_semaphore, #tpu.memory_space<semaphore_mem>>)
          %dma_wait3A_49 = tpu.memref_slice %arg4[%mul3A_16] : memref<10240xi32, #tpu.memory_space<hbm>> -> memref<128xi32, #tpu.memory_space<hbm>>
          %dma_wait3A_50 = tpu.memref_slice %arg4[%mul3A_16] : memref<10240xi32, #tpu.memory_space<hbm>> -> memref<128xi32, #tpu.memory_space<hbm>>
          tpu.wait_dma2 semaphore(%run_scoped3A_46 : memref<!tpu.dma_semaphore, #tpu.memory_space<semaphore_mem>>) src(%dma_wait3A_50 : memref<128xi32, #tpu.memory_space<hbm>>) dst(%arg8 : memref<128xi32, #tpu.memory_space<vmem>>)
          tpu.yield
        }) : () -> ()
        %dma_start3A = arith.constant 0 : i32
        %dma_start3A_17 = arith.constant 0 : i32
        %dma_start3A_18 = tpu.memref_slice %arg2[%dma_start3A, %dma_start3A_17] : memref<10000x128xf32, #tpu.memory_space<hbm>> -> memref<10000x128xf32, #tpu.memory_space<hbm>>
        tpu.enqueue_indirect_dma source(%dma_start3A_18 : memref<10000x128xf32, #tpu.memory_space<hbm>>) target(%arg9 : memref<128x128xf32, #tpu.memory_space<vmem>>) offsets(%arg8 : memref<128xi32, #tpu.memory_space<vmem>>) semaphore(%arg16 : memref<!tpu.dma_semaphore, #tpu.memory_space<semaphore_mem>>)
        %dma_start3A_19 = arith.constant 0 : i32
        %dma_start3A_20 = arith.constant 0 : i32
        %dma_start3A_21 = tpu.memref_slice %arg3[%dma_start3A_19, %dma_start3A_20] : memref<10000x128xf32, #tpu.memory_space<hbm>> -> memref<10000x128xf32, #tpu.memory_space<hbm>>
        tpu.enqueue_indirect_dma source(%dma_start3A_21 : memref<10000x128xf32, #tpu.memory_space<hbm>>) target(%arg10 : memref<128x128xf32, #tpu.memory_space<vmem>>) offsets(%arg8 : memref<128xi32, #tpu.memory_space<vmem>>) semaphore(%arg16 : memref<!tpu.dma_semaphore, #tpu.memory_space<semaphore_mem>>)
        %dma_wait3A = arith.constant 0 : i32
        %dma_wait3A_22 = arith.constant 0 : i32
        %dma_wait3A_23 = tpu.memref_slice %arg2[%dma_wait3A, %dma_wait3A_22] : memref<10000x128xf32, #tpu.memory_space<hbm>> -> memref<10000x128xf32, #tpu.memory_space<hbm>>
        tpu.wait_indirect_dma semaphore(%arg16 : memref<!tpu.dma_semaphore, #tpu.memory_space<semaphore_mem>>) src(%dma_wait3A_23 : memref<10000x128xf32, #tpu.memory_space<hbm>>) dst(%arg9 : memref<128x128xf32, #tpu.memory_space<vmem>>)
        %dma_wait3A_24 = arith.constant 0 : i32
        %dma_wait3A_25 = arith.constant 0 : i32
        %dma_wait3A_26 = tpu.memref_slice %arg3[%dma_wait3A_24, %dma_wait3A_25] : memref<10000x128xf32, #tpu.memory_space<hbm>> -> memref<10000x128xf32, #tpu.memory_space<hbm>>
        tpu.wait_indirect_dma semaphore(%arg16 : memref<!tpu.dma_semaphore, #tpu.memory_space<semaphore_mem>>) src(%dma_wait3A_26 : memref<10000x128xf32, #tpu.memory_space<hbm>>) dst(%arg10 : memref<128x128xf32, #tpu.memory_space<vmem>>)
        %run_scoped3A = arith.constant 0 : i32
        "tpu.region"() ({
          %run_scoped3A_46 = tpu.sem_alloc : memref<!tpu.dma_semaphore, #tpu.memory_space<semaphore_mem>>
          %dma_start3A_47 = arith.constant 0 : i32
          %dma_start3A_48 = arith.constant 0 : i32
          %dma_start3A_49 = tpu.memref_slice %arg5[%run_scoped3A, %dma_start3A_47, %dma_start3A_48] : memref<2x10240x128xf32, #tpu.memory_space<hbm>> -> memref<1x10240x128xf32, #tpu.memory_space<hbm>>
          %dma_start3A_50 = tpu.memref_squeeze %dma_start3A_49 : memref<1x10240x128xf32, #tpu.memory_space<hbm>> -> memref<10240x128xf32, #tpu.memory_space<hbm>>
          %dma_start3A_51 = arith.constant 0 : i32
          %dma_start3A_52 = tpu.memref_slice %dma_start3A_50[%mul3A_16, %dma_start3A_51] : memref<10240x128xf32, #tpu.memory_space<hbm>> -> memref<128x128xf32, #tpu.memory_space<hbm>>
          %dma_start3A_53 = arith.constant 0 : i32
          %dma_start3A_54 = arith.constant 0 : i32
          %dma_start3A_55 = tpu.memref_slice %arg5[%run_scoped3A, %dma_start3A_53, %dma_start3A_54] : memref<2x10240x128xf32, #tpu.memory_space<hbm>> -> memref<1x10240x128xf32, #tpu.memory_space<hbm>>
          %dma_start3A_56 = tpu.memref_squeeze %dma_start3A_55 : memref<1x10240x128xf32, #tpu.memory_space<hbm>> -> memref<10240x128xf32, #tpu.memory_space<hbm>>
          %dma_start3A_57 = arith.constant 0 : i32
          %dma_start3A_58 = tpu.memref_slice %dma_start3A_56[%mul3A_16, %dma_start3A_57] : memref<10240x128xf32, #tpu.memory_space<hbm>> -> memref<128x128xf32, #tpu.memory_space<hbm>>
          tpu.enqueue_dma source(%dma_start3A_58 : memref<128x128xf32, #tpu.memory_space<hbm>>) target(%arg11 : memref<128x128xf32, #tpu.memory_space<vmem>>) target_semaphore(%run_scoped3A_46 : memref<!tpu.dma_semaphore, #tpu.memory_space<semaphore_mem>>)
          %dma_wait3A_59 = arith.constant 0 : i32
          %dma_wait3A_60 = arith.constant 0 : i32
          %dma_wait3A_61 = tpu.memref_slice %arg5[%run_scoped3A, %dma_wait3A_59, %dma_wait3A_60] : memref<2x10240x128xf32, #tpu.memory_space<hbm>> -> memref<1x10240x128xf32, #tpu.memory_space<hbm>>
          %dma_wait3A_62 = tpu.memref_squeeze %dma_wait3A_61 : memref<1x10240x128xf32, #tpu.memory_space<hbm>> -> memref<10240x128xf32, #tpu.memory_space<hbm>>
          %dma_wait3A_63 = arith.constant 0 : i32
          %dma_wait3A_64 = tpu.memref_slice %dma_wait3A_62[%mul3A_16, %dma_wait3A_63] : memref<10240x128xf32, #tpu.memory_space<hbm>> -> memref<128x128xf32, #tpu.memory_space<hbm>>
          %dma_wait3A_65 = arith.constant 0 : i32
          %dma_wait3A_66 = arith.constant 0 : i32
          %dma_wait3A_67 = tpu.memref_slice %arg5[%run_scoped3A, %dma_wait3A_65, %dma_wait3A_66] : memref<2x10240x128xf32, #tpu.memory_space<hbm>> -> memref<1x10240x128xf32, #tpu.memory_space<hbm>>
          %dma_wait3A_68 = tpu.memref_squeeze %dma_wait3A_67 : memref<1x10240x128xf32, #tpu.memory_space<hbm>> -> memref<10240x128xf32, #tpu.memory_space<hbm>>
          %dma_wait3A_69 = arith.constant 0 : i32
          %dma_wait3A_70 = tpu.memref_slice %dma_wait3A_68[%mul3A_16, %dma_wait3A_69] : memref<10240x128xf32, #tpu.memory_space<hbm>> -> memref<128x128xf32, #tpu.memory_space<hbm>>
          tpu.wait_dma2 semaphore(%run_scoped3A_46 : memref<!tpu.dma_semaphore, #tpu.memory_space<semaphore_mem>>) src(%dma_wait3A_70 : memref<128x128xf32, #tpu.memory_space<hbm>>) dst(%arg11 : memref<128x128xf32, #tpu.memory_space<vmem>>)
          tpu.yield
        }) : () -> ()
        %run_scoped3A_27 = arith.constant 1 : i32
        "tpu.region"() ({
          %run_scoped3A_46 = tpu.sem_alloc : memref<!tpu.dma_semaphore, #tpu.memory_space<semaphore_mem>>
          %dma_start3A_47 = arith.constant 0 : i32
          %dma_start3A_48 = arith.constant 0 : i32
          %dma_start3A_49 = tpu.memref_slice %arg5[%run_scoped3A_27, %dma_start3A_47, %dma_start3A_48] : memref<2x10240x128xf32, #tpu.memory_space<hbm>> -> memref<1x10240x128xf32, #tpu.memory_space<hbm>>
          %dma_start3A_50 = tpu.memref_squeeze %dma_start3A_49 : memref<1x10240x128xf32, #tpu.memory_space<hbm>> -> memref<10240x128xf32, #tpu.memory_space<hbm>>
          %dma_start3A_51 = arith.constant 0 : i32
          %dma_start3A_52 = tpu.memref_slice %dma_start3A_50[%mul3A_16, %dma_start3A_51] : memref<10240x128xf32, #tpu.memory_space<hbm>> -> memref<128x128xf32, #tpu.memory_space<hbm>>
          %dma_start3A_53 = arith.constant 0 : i32
          %dma_start3A_54 = arith.constant 0 : i32
          %dma_start3A_55 = tpu.memref_slice %arg5[%run_scoped3A_27, %dma_start3A_53, %dma_start3A_54] : memref<2x10240x128xf32, #tpu.memory_space<hbm>> -> memref<1x10240x128xf32, #tpu.memory_space<hbm>>
          %dma_start3A_56 = tpu.memref_squeeze %dma_start3A_55 : memref<1x10240x128xf32, #tpu.memory_space<hbm>> -> memref<10240x128xf32, #tpu.memory_space<hbm>>
          %dma_start3A_57 = arith.constant 0 : i32
          %dma_start3A_58 = tpu.memref_slice %dma_start3A_56[%mul3A_16, %dma_start3A_57] : memref<10240x128xf32, #tpu.memory_space<hbm>> -> memref<128x128xf32, #tpu.memory_space<hbm>>
          tpu.enqueue_dma source(%dma_start3A_58 : memref<128x128xf32, #tpu.memory_space<hbm>>) target(%arg12 : memref<128x128xf32, #tpu.memory_space<vmem>>) target_semaphore(%run_scoped3A_46 : memref<!tpu.dma_semaphore, #tpu.memory_space<semaphore_mem>>)
          %dma_wait3A_59 = arith.constant 0 : i32
          %dma_wait3A_60 = arith.constant 0 : i32
          %dma_wait3A_61 = tpu.memref_slice %arg5[%run_scoped3A_27, %dma_wait3A_59, %dma_wait3A_60] : memref<2x10240x128xf32, #tpu.memory_space<hbm>> -> memref<1x10240x128xf32, #tpu.memory_space<hbm>>
          %dma_wait3A_62 = tpu.memref_squeeze %dma_wait3A_61 : memref<1x10240x128xf32, #tpu.memory_space<hbm>> -> memref<10240x128xf32, #tpu.memory_space<hbm>>
          %dma_wait3A_63 = arith.constant 0 : i32
          %dma_wait3A_64 = tpu.memref_slice %dma_wait3A_62[%mul3A_16, %dma_wait3A_63] : memref<10240x128xf32, #tpu.memory_space<hbm>> -> memref<128x128xf32, #tpu.memory_space<hbm>>
          %dma_wait3A_65 = arith.constant 0 : i32
          %dma_wait3A_66 = arith.constant 0 : i32
          %dma_wait3A_67 = tpu.memref_slice %arg5[%run_scoped3A_27, %dma_wait3A_65, %dma_wait3A_66] : memref<2x10240x128xf32, #tpu.memory_space<hbm>> -> memref<1x10240x128xf32, #tpu.memory_space<hbm>>
          %dma_wait3A_68 = tpu.memref_squeeze %dma_wait3A_67 : memref<1x10240x128xf32, #tpu.memory_space<hbm>> -> memref<10240x128xf32, #tpu.memory_space<hbm>>
          %dma_wait3A_69 = arith.constant 0 : i32
          %dma_wait3A_70 = tpu.memref_slice %dma_wait3A_68[%mul3A_16, %dma_wait3A_69] : memref<10240x128xf32, #tpu.memory_space<hbm>> -> memref<128x128xf32, #tpu.memory_space<hbm>>
          tpu.wait_dma2 semaphore(%run_scoped3A_46 : memref<!tpu.dma_semaphore, #tpu.memory_space<semaphore_mem>>) src(%dma_wait3A_70 : memref<128x128xf32, #tpu.memory_space<hbm>>) dst(%arg12 : memref<128x128xf32, #tpu.memory_space<vmem>>)
          tpu.yield
        }) : () -> ()
        "tpu.region"() ({
          %run_scoped3A_46 = tpu.sem_alloc : memref<!tpu.dma_semaphore, #tpu.memory_space<semaphore_mem>>
          %dma_start3A_47 = arith.constant 0 : i32
          %dma_start3A_48 = tpu.memref_slice %arg13[%dma_start3A_47] : memref<144xf32, #tpu.memory_space<vmem>> -> memref<128xf32, #tpu.memory_space<vmem>>
          %dma_start3A_49 = tpu.memref_slice %arg6[%mul3A_16] : memref<20480xf32, #tpu.memory_space<hbm>> -> memref<128xf32, #tpu.memory_space<hbm>>
          %dma_start3A_50 = arith.constant 0 : i32
          %dma_start3A_51 = tpu.memref_slice %arg13[%dma_start3A_50] : memref<144xf32, #tpu.memory_space<vmem>> -> memref<128xf32, #tpu.memory_space<vmem>>
          %dma_start3A_52 = tpu.memref_slice %arg6[%mul3A_16] : memref<20480xf32, #tpu.memory_space<hbm>> -> memref<128xf32, #tpu.memory_space<hbm>>
          tpu.enqueue_dma source(%dma_start3A_52 : memref<128xf32, #tpu.memory_space<hbm>>) target(%dma_start3A_51 : memref<128xf32, #tpu.memory_space<vmem>>) target_semaphore(%run_scoped3A_46 : memref<!tpu.dma_semaphore, #tpu.memory_space<semaphore_mem>>)
          %dma_wait3A_53 = arith.constant 0 : i32
          %dma_wait3A_54 = tpu.memref_slice %arg13[%dma_wait3A_53] : memref<144xf32, #tpu.memory_space<vmem>> -> memref<128xf32, #tpu.memory_space<vmem>>
          %dma_wait3A_55 = tpu.memref_slice %arg6[%mul3A_16] : memref<20480xf32, #tpu.memory_space<hbm>> -> memref<128xf32, #tpu.memory_space<hbm>>
          %dma_wait3A_56 = arith.constant 0 : i32
          %dma_wait3A_57 = tpu.memref_slice %arg13[%dma_wait3A_56] : memref<144xf32, #tpu.memory_space<vmem>> -> memref<128xf32, #tpu.memory_space<vmem>>
          %dma_wait3A_58 = tpu.memref_slice %arg6[%mul3A_16] : memref<20480xf32, #tpu.memory_space<hbm>> -> memref<128xf32, #tpu.memory_space<hbm>>
          tpu.wait_dma2 semaphore(%run_scoped3A_46 : memref<!tpu.dma_semaphore, #tpu.memory_space<semaphore_mem>>) src(%dma_wait3A_58 : memref<128xf32, #tpu.memory_space<hbm>>) dst(%dma_wait3A_57 : memref<128xf32, #tpu.memory_space<vmem>>)
          tpu.yield
        }) : () -> ()
        %add3A_28 = arith.constant 10240 : i32
        %add3A_29 = arith.addi %add3A_28, %mul3A_16 : i32
        "tpu.region"() ({
          %run_scoped3A_46 = tpu.sem_alloc : memref<!tpu.dma_semaphore, #tpu.memory_space<semaphore_mem>>
          %dma_start3A_47 = arith.constant 0 : i32
          %dma_start3A_48 = tpu.memref_slice %arg14[%dma_start3A_47] : memref<144xf32, #tpu.memory_space<vmem>> -> memref<128xf32, #tpu.memory_space<vmem>>
          %dma_start3A_49 = tpu.memref_slice %arg6[%add3A_29] : memref<20480xf32, #tpu.memory_space<hbm>> -> memref<128xf32, #tpu.memory_space<hbm>>
          %dma_start3A_50 = arith.constant 0 : i32
          %dma_start3A_51 = tpu.memref_slice %arg14[%dma_start3A_50] : memref<144xf32, #tpu.memory_space<vmem>> -> memref<128xf32, #tpu.memory_space<vmem>>
          %dma_start3A_52 = tpu.memref_slice %arg6[%add3A_29] : memref<20480xf32, #tpu.memory_space<hbm>> -> memref<128xf32, #tpu.memory_space<hbm>>
          tpu.enqueue_dma source(%dma_start3A_52 : memref<128xf32, #tpu.memory_space<hbm>>) target(%dma_start3A_51 : memref<128xf32, #tpu.memory_space<vmem>>) target_semaphore(%run_scoped3A_46 : memref<!tpu.dma_semaphore, #tpu.memory_space<semaphore_mem>>)
          %dma_wait3A_53 = arith.constant 0 : i32
          %dma_wait3A_54 = tpu.memref_slice %arg14[%dma_wait3A_53] : memref<144xf32, #tpu.memory_space<vmem>> -> memref<128xf32, #tpu.memory_space<vmem>>
          %dma_wait3A_55 = tpu.memref_slice %arg6[%add3A_29] : memref<20480xf32, #tpu.memory_space<hbm>> -> memref<128xf32, #tpu.memory_space<hbm>>
          %dma_wait3A_56 = arith.constant 0 : i32
          %dma_wait3A_57 = tpu.memref_slice %arg14[%dma_wait3A_56] : memref<144xf32, #tpu.memory_space<vmem>> -> memref<128xf32, #tpu.memory_space<vmem>>
          %dma_wait3A_58 = tpu.memref_slice %arg6[%add3A_29] : memref<20480xf32, #tpu.memory_space<hbm>> -> memref<128xf32, #tpu.memory_space<hbm>>
          tpu.wait_dma2 semaphore(%run_scoped3A_46 : memref<!tpu.dma_semaphore, #tpu.memory_space<semaphore_mem>>) src(%dma_wait3A_58 : memref<128xf32, #tpu.memory_space<hbm>>) dst(%dma_wait3A_57 : memref<128xf32, #tpu.memory_space<vmem>>)
          tpu.yield
        }) : () -> ()
        %scan3A_30 = arith.constant 0 : i32
        %scan3A_31 = arith.constant 0 : i32
        %scan3A_32 = arith.constant 128 : i32
        %scan3A_33 = arith.addi %scan3A_31, %scan3A_32 : i32
        %scan3A_34 = arith.constant 1 : i32
        %scan3A_35 = scf.for %scan3A_46 = %scan3A_31 to %scan3A_33 step %scan3A_34 iter_args(%scan3A_47 = %scan3A_30) -> (i32)  : i32 {
          %get3A = arith.index_cast %scan3A_46 : i32 to index
          %get3A_48 = tpu.vector_load %arg13[%get3A] {strides = array<i32>} : memref<144xf32, #tpu.memory_space<vmem>>, vector<16xf32>,
          %get3A_49 = vector.shape_cast %get3A_48 : vector<16xf32> to vector<16xf32>
          %get3A_50 = arith.index_cast %scan3A_46 : i32 to index
          %get3A_51 = tpu.vector_load %arg14[%get3A_50] {strides = array<i32>} : memref<144xf32, #tpu.memory_space<vmem>>, vector<16xf32>,
          %get3A_52 = vector.shape_cast %get3A_51 : vector<16xf32> to vector<16xf32>
          %slice3A = vector.extract_strided_slice %get3A_49 {offsets = [0], sizes = [1], strides = [1]} : vector<16xf32> to vector<1xf32>
          %squeeze3A = vector.extract %slice3A[0] : f32 from vector<1xf32>
          %slice3A_53 = vector.extract_strided_slice %get3A_52 {offsets = [0], sizes = [1], strides = [1]} : vector<16xf32> to vector<1xf32>
          %squeeze3A_54 = vector.extract %slice3A_53[0] : f32 from vector<1xf32>
          %add3A_55 = arith.addf %squeeze3A, %squeeze3A_54 : f32
          %broadcast_in_dim3A = vector.broadcast %add3A_55 : f32 to vector<16xf32>
          %get3A_56 = arith.index_cast %scan3A_46 : i32 to index
          %get3A_57 = arith.constant 0 : index
          %get3A_58 = tpu.vector_load %arg9[%get3A_56, %get3A_57] {strides = array<i32>} : memref<128x128xf32, #tpu.memory_space<vmem>>, vector<1x16xf32>,
          %get3A_59 = vector.shape_cast %get3A_58 : vector<1x16xf32> to vector<16xf32>
          %mul3A_60 = arith.mulf %broadcast_in_dim3A, %get3A_59 : vector<16xf32>
          %get3A_61 = arith.index_cast %scan3A_46 : i32 to index
          %get3A_62 = arith.constant 0 : index
          %get3A_63 = tpu.vector_load %arg11[%get3A_61, %get3A_62] {strides = array<i32>} : memref<128x128xf32, #tpu.memory_space<vmem>>, vector<1x16xf32>,
          %get3A_64 = vector.shape_cast %get3A_63 : vector<1x16xf32> to vector<16xf32>
          %get3A_65 = arith.index_cast %scan3A_46 : i32 to index
          %get3A_66 = arith.constant 0 : index
          %get3A_67 = tpu.vector_load %arg12[%get3A_65, %get3A_66] {strides = array<i32>} : memref<128x128xf32, #tpu.memory_space<vmem>>, vector<1x16xf32>,
          %get3A_68 = vector.shape_cast %get3A_67 : vector<1x16xf32> to vector<16xf32>
          %add3A_69 = arith.addf %get3A_64, %get3A_68 : vector<16xf32>
          %get3A_70 = arith.index_cast %scan3A_46 : i32 to index
          %get3A_71 = arith.constant 0 : index
          %get3A_72 = tpu.vector_load %arg10[%get3A_70, %get3A_71] {strides = array<i32>} : memref<128x128xf32, #tpu.memory_space<vmem>>, vector<1x16xf32>,
          %get3A_73 = vector.shape_cast %get3A_72 : vector<1x16xf32> to vector<16xf32>
          %add3A_74 = arith.addf %add3A_69, %get3A_73 : vector<16xf32>
          %add3A_75 = arith.addf %mul3A_60, %add3A_74 : vector<16xf32>
          %swap3A = arith.index_cast %scan3A_46 : i32 to index
          %swap3A_76 = arith.constant 0 : index
          %swap3A_77 = tpu.vector_load %arg15[%swap3A, %swap3A_76] {strides = array<i32>} : memref<128x128xf32, #tpu.memory_space<vmem>>, vector<1x16xf32>,
          %swap3A_78 = vector.shape_cast %swap3A_77 : vector<1x16xf32> to vector<16xf32>
          %swap3A_79 = vector.shape_cast %add3A_75 : vector<16xf32> to vector<1x16xf32>
          tpu.vector_store %arg15[%swap3A, %swap3A_76], %swap3A_79 {strides = array<i32>} : memref<128x128xf32, #tpu.memory_space<vmem>>, vector<1x16xf32>,
          %get3A_80 = arith.index_cast %scan3A_46 : i32 to index
          %get3A_81 = arith.constant 16 : index
          %get3A_82 = tpu.vector_load %arg9[%get3A_80, %get3A_81] {strides = array<i32>} : memref<128x128xf32, #tpu.memory_space<vmem>>, vector<1x16xf32>,
          %get3A_83 = vector.shape_cast %get3A_82 : vector<1x16xf32> to vector<16xf32>
          %mul3A_84 = arith.mulf %broadcast_in_dim3A, %get3A_83 : vector<16xf32>
          %get3A_85 = arith.index_cast %scan3A_46 : i32 to index
          %get3A_86 = arith.constant 16 : index
          %get3A_87 = tpu.vector_load %arg11[%get3A_85, %get3A_86] {strides = array<i32>} : memref<128x128xf32, #tpu.memory_space<vmem>>, vector<1x16xf32>,
          %get3A_88 = vector.shape_cast %get3A_87 : vector<1x16xf32> to vector<16xf32>
          %get3A_89 = arith.index_cast %scan3A_46 : i32 to index
          %get3A_90 = arith.constant 16 : index
          %get3A_91 = tpu.vector_load %arg12[%get3A_89, %get3A_90] {strides = array<i32>} : memref<128x128xf32, #tpu.memory_space<vmem>>, vector<1x16xf32>,
          %get3A_92 = vector.shape_cast %get3A_91 : vector<1x16xf32> to vector<16xf32>
          %add3A_93 = arith.addf %get3A_88, %get3A_92 : vector<16xf32>
          %get3A_94 = arith.index_cast %scan3A_46 : i32 to index
          %get3A_95 = arith.constant 16 : index
          %get3A_96 = tpu.vector_load %arg10[%get3A_94, %get3A_95] {strides = array<i32>} : memref<128x128xf32, #tpu.memory_space<vmem>>, vector<1x16xf32>,
          %get3A_97 = vector.shape_cast %get3A_96 : vector<1x16xf32> to vector<16xf32>
          %add3A_98 = arith.addf %add3A_93, %get3A_97 : vector<16xf32>
          %add3A_99 = arith.addf %mul3A_84, %add3A_98 : vector<16xf32>
          %swap3A_100 = arith.index_cast %scan3A_46 : i32 to index
          %swap3A_101 = arith.constant 16 : index
          %swap3A_102 = tpu.vector_load %arg15[%swap3A_100, %swap3A_101] {strides = array<i32>} : memref<128x128xf32, #tpu.memory_space<vmem>>, vector<1x16xf32>,
          %swap3A_103 = vector.shape_cast %swap3A_102 : vector<1x16xf32> to vector<16xf32>
          %swap3A_104 = vector.shape_cast %add3A_99 : vector<16xf32> to vector<1x16xf32>
          tpu.vector_store %arg15[%swap3A_100, %swap3A_101], %swap3A_104 {strides = array<i32>} : memref<128x128xf32, #tpu.memory_space<vmem>>, vector<1x16xf32>,
          %get3A_105 = arith.index_cast %scan3A_46 : i32 to index
          %get3A_106 = arith.constant 32 : index
          %get3A_107 = tpu.vector_load %arg9[%get3A_105, %get3A_106] {strides = array<i32>} : memref<128x128xf32, #tpu.memory_space<vmem>>, vector<1x16xf32>,
          %get3A_108 = vector.shape_cast %get3A_107 : vector<1x16xf32> to vector<16xf32>
          %mul3A_109 = arith.mulf %broadcast_in_dim3A, %get3A_108 : vector<16xf32>
          %get3A_110 = arith.index_cast %scan3A_46 : i32 to index
          %get3A_111 = arith.constant 32 : index
          %get3A_112 = tpu.vector_load %arg11[%get3A_110, %get3A_111] {strides = array<i32>} : memref<128x128xf32, #tpu.memory_space<vmem>>, vector<1x16xf32>,
          %get3A_113 = vector.shape_cast %get3A_112 : vector<1x16xf32> to vector<16xf32>
          %get3A_114 = arith.index_cast %scan3A_46 : i32 to index
          %get3A_115 = arith.constant 32 : index
          %get3A_116 = tpu.vector_load %arg12[%get3A_114, %get3A_115] {strides = array<i32>} : memref<128x128xf32, #tpu.memory_space<vmem>>, vector<1x16xf32>,
          %get3A_117 = vector.shape_cast %get3A_116 : vector<1x16xf32> to vector<16xf32>
          %add3A_118 = arith.addf %get3A_113, %get3A_117 : vector<16xf32>
          %get3A_119 = arith.index_cast %scan3A_46 : i32 to index
          %get3A_120 = arith.constant 32 : index
          %get3A_121 = tpu.vector_load %arg10[%get3A_119, %get3A_120] {strides = array<i32>} : memref<128x128xf32, #tpu.memory_space<vmem>>, vector<1x16xf32>,
          %get3A_122 = vector.shape_cast %get3A_121 : vector<1x16xf32> to vector<16xf32>
          %add3A_123 = arith.addf %add3A_118, %get3A_122 : vector<16xf32>
          %add3A_124 = arith.addf %mul3A_109, %add3A_123 : vector<16xf32>
          %swap3A_125 = arith.index_cast %scan3A_46 : i32 to index
          %swap3A_126 = arith.constant 32 : index
          %swap3A_127 = tpu.vector_load %arg15[%swap3A_125, %swap3A_126] {strides = array<i32>} : memref<128x128xf32, #tpu.memory_space<vmem>>, vector<1x16xf32>,
          %swap3A_128 = vector.shape_cast %swap3A_127 : vector<1x16xf32> to vector<16xf32>
          %swap3A_129 = vector.shape_cast %add3A_124 : vector<16xf32> to vector<1x16xf32>
          tpu.vector_store %arg15[%swap3A_125, %swap3A_126], %swap3A_129 {strides = array<i32>} : memref<128x128xf32, #tpu.memory_space<vmem>>, vector<1x16xf32>,
          %get3A_130 = arith.index_cast %scan3A_46 : i32 to index
          %get3A_131 = arith.constant 48 : index
          %get3A_132 = tpu.vector_load %arg9[%get3A_130, %get3A_131] {strides = array<i32>} : memref<128x128xf32, #tpu.memory_space<vmem>>, vector<1x16xf32>,
          %get3A_133 = vector.shape_cast %get3A_132 : vector<1x16xf32> to vector<16xf32>
          %mul3A_134 = arith.mulf %broadcast_in_dim3A, %get3A_133 : vector<16xf32>
          %get3A_135 = arith.index_cast %scan3A_46 : i32 to index
          %get3A_136 = arith.constant 48 : index
          %get3A_137 = tpu.vector_load %arg11[%get3A_135, %get3A_136] {strides = array<i32>} : memref<128x128xf32, #tpu.memory_space<vmem>>, vector<1x16xf32>,
          %get3A_138 = vector.shape_cast %get3A_137 : vector<1x16xf32> to vector<16xf32>
          %get3A_139 = arith.index_cast %scan3A_46 : i32 to index
          %get3A_140 = arith.constant 48 : index
          %get3A_141 = tpu.vector_load %arg12[%get3A_139, %get3A_140] {strides = array<i32>} : memref<128x128xf32, #tpu.memory_space<vmem>>, vector<1x16xf32>,
          %get3A_142 = vector.shape_cast %get3A_141 : vector<1x16xf32> to vector<16xf32>
          %add3A_143 = arith.addf %get3A_138, %get3A_142 : vector<16xf32>
          %get3A_144 = arith.index_cast %scan3A_46 : i32 to index
          %get3A_145 = arith.constant 48 : index
          %get3A_146 = tpu.vector_load %arg10[%get3A_144, %get3A_145] {strides = array<i32>} : memref<128x128xf32, #tpu.memory_space<vmem>>, vector<1x16xf32>,
          %get3A_147 = vector.shape_cast %get3A_146 : vector<1x16xf32> to vector<16xf32>
          %add3A_148 = arith.addf %add3A_143, %get3A_147 : vector<16xf32>
          %add3A_149 = arith.addf %mul3A_134, %add3A_148 : vector<16xf32>
          %swap3A_150 = arith.index_cast %scan3A_46 : i32 to index
          %swap3A_151 = arith.constant 48 : index
          %swap3A_152 = tpu.vector_load %arg15[%swap3A_150, %swap3A_151] {strides = array<i32>} : memref<128x128xf32, #tpu.memory_space<vmem>>, vector<1x16xf32>,
          %swap3A_153 = vector.shape_cast %swap3A_152 : vector<1x16xf32> to vector<16xf32>
          %swap3A_154 = vector.shape_cast %add3A_149 : vector<16xf32> to vector<1x16xf32>
          tpu.vector_store %arg15[%swap3A_150, %swap3A_151], %swap3A_154 {strides = array<i32>} : memref<128x128xf32, #tpu.memory_space<vmem>>, vector<1x16xf32>,
          %get3A_155 = arith.index_cast %scan3A_46 : i32 to index
          %get3A_156 = arith.constant 64 : index
          %get3A_157 = tpu.vector_load %arg9[%get3A_155, %get3A_156] {strides = array<i32>} : memref<128x128xf32, #tpu.memory_space<vmem>>, vector<1x16xf32>,
          %get3A_158 = vector.shape_cast %get3A_157 : vector<1x16xf32> to vector<16xf32>
          %mul3A_159 = arith.mulf %broadcast_in_dim3A, %get3A_158 : vector<16xf32>
          %get3A_160 = arith.index_cast %scan3A_46 : i32 to index
          %get3A_161 = arith.constant 64 : index
          %get3A_162 = tpu.vector_load %arg11[%get3A_160, %get3A_161] {strides = array<i32>} : memref<128x128xf32, #tpu.memory_space<vmem>>, vector<1x16xf32>,
          %get3A_163 = vector.shape_cast %get3A_162 : vector<1x16xf32> to vector<16xf32>
          %get3A_164 = arith.index_cast %scan3A_46 : i32 to index
          %get3A_165 = arith.constant 64 : index
          %get3A_166 = tpu.vector_load %arg12[%get3A_164, %get3A_165] {strides = array<i32>} : memref<128x128xf32, #tpu.memory_space<vmem>>, vector<1x16xf32>,
          %get3A_167 = vector.shape_cast %get3A_166 : vector<1x16xf32> to vector<16xf32>
          %add3A_168 = arith.addf %get3A_163, %get3A_167 : vector<16xf32>
          %get3A_169 = arith.index_cast %scan3A_46 : i32 to index
          %get3A_170 = arith.constant 64 : index
          %get3A_171 = tpu.vector_load %arg10[%get3A_169, %get3A_170] {strides = array<i32>} : memref<128x128xf32, #tpu.memory_space<vmem>>, vector<1x16xf32>,
          %get3A_172 = vector.shape_cast %get3A_171 : vector<1x16xf32> to vector<16xf32>
          %add3A_173 = arith.addf %add3A_168, %get3A_172 : vector<16xf32>
          %add3A_174 = arith.addf %mul3A_159, %add3A_173 : vector<16xf32>
          %swap3A_175 = arith.index_cast %scan3A_46 : i32 to index
          %swap3A_176 = arith.constant 64 : index
          %swap3A_177 = tpu.vector_load %arg15[%swap3A_175, %swap3A_176] {strides = array<i32>} : memref<128x128xf32, #tpu.memory_space<vmem>>, vector<1x16xf32>,
          %swap3A_178 = vector.shape_cast %swap3A_177 : vector<1x16xf32> to vector<16xf32>
          %swap3A_179 = vector.shape_cast %add3A_174 : vector<16xf32> to vector<1x16xf32>
          tpu.vector_store %arg15[%swap3A_175, %swap3A_176], %swap3A_179 {strides = array<i32>} : memref<128x128xf32, #tpu.memory_space<vmem>>, vector<1x16xf32>,
          %get3A_180 = arith.index_cast %scan3A_46 : i32 to index
          %get3A_181 = arith.constant 80 : index
          %get3A_182 = tpu.vector_load %arg9[%get3A_180, %get3A_181] {strides = array<i32>} : memref<128x128xf32, #tpu.memory_space<vmem>>, vector<1x16xf32>,
          %get3A_183 = vector.shape_cast %get3A_182 : vector<1x16xf32> to vector<16xf32>
          %mul3A_184 = arith.mulf %broadcast_in_dim3A, %get3A_183 : vector<16xf32>
          %get3A_185 = arith.index_cast %scan3A_46 : i32 to index
          %get3A_186 = arith.constant 80 : index
          %get3A_187 = tpu.vector_load %arg11[%get3A_185, %get3A_186] {strides = array<i32>} : memref<128x128xf32, #tpu.memory_space<vmem>>, vector<1x16xf32>,
          %get3A_188 = vector.shape_cast %get3A_187 : vector<1x16xf32> to vector<16xf32>
          %get3A_189 = arith.index_cast %scan3A_46 : i32 to index
          %get3A_190 = arith.constant 80 : index
          %get3A_191 = tpu.vector_load %arg12[%get3A_189, %get3A_190] {strides = array<i32>} : memref<128x128xf32, #tpu.memory_space<vmem>>, vector<1x16xf32>,
          %get3A_192 = vector.shape_cast %get3A_191 : vector<1x16xf32> to vector<16xf32>
          %add3A_193 = arith.addf %get3A_188, %get3A_192 : vector<16xf32>
          %get3A_194 = arith.index_cast %scan3A_46 : i32 to index
          %get3A_195 = arith.constant 80 : index
          %get3A_196 = tpu.vector_load %arg10[%get3A_194, %get3A_195] {strides = array<i32>} : memref<128x128xf32, #tpu.memory_space<vmem>>, vector<1x16xf32>,
          %get3A_197 = vector.shape_cast %get3A_196 : vector<1x16xf32> to vector<16xf32>
          %add3A_198 = arith.addf %add3A_193, %get3A_197 : vector<16xf32>
          %add3A_199 = arith.addf %mul3A_184, %add3A_198 : vector<16xf32>
          %swap3A_200 = arith.index_cast %scan3A_46 : i32 to index
          %swap3A_201 = arith.constant 80 : index
          %swap3A_202 = tpu.vector_load %arg15[%swap3A_200, %swap3A_201] {strides = array<i32>} : memref<128x128xf32, #tpu.memory_space<vmem>>, vector<1x16xf32>,
          %swap3A_203 = vector.shape_cast %swap3A_202 : vector<1x16xf32> to vector<16xf32>
          %swap3A_204 = vector.shape_cast %add3A_199 : vector<16xf32> to vector<1x16xf32>
          tpu.vector_store %arg15[%swap3A_200, %swap3A_201], %swap3A_204 {strides = array<i32>} : memref<128x128xf32, #tpu.memory_space<vmem>>, vector<1x16xf32>,
          %get3A_205 = arith.index_cast %scan3A_46 : i32 to index
          %get3A_206 = arith.constant 96 : index
          %get3A_207 = tpu.vector_load %arg9[%get3A_205, %get3A_206] {strides = array<i32>} : memref<128x128xf32, #tpu.memory_space<vmem>>, vector<1x16xf32>,
          %get3A_208 = vector.shape_cast %get3A_207 : vector<1x16xf32> to vector<16xf32>
          %mul3A_209 = arith.mulf %broadcast_in_dim3A, %get3A_208 : vector<16xf32>
          %get3A_210 = arith.index_cast %scan3A_46 : i32 to index
          %get3A_211 = arith.constant 96 : index
          %get3A_212 = tpu.vector_load %arg11[%get3A_210, %get3A_211] {strides = array<i32>} : memref<128x128xf32, #tpu.memory_space<vmem>>, vector<1x16xf32>,
          %get3A_213 = vector.shape_cast %get3A_212 : vector<1x16xf32> to vector<16xf32>
          %get3A_214 = arith.index_cast %scan3A_46 : i32 to index
          %get3A_215 = arith.constant 96 : index
          %get3A_216 = tpu.vector_load %arg12[%get3A_214, %get3A_215] {strides = array<i32>} : memref<128x128xf32, #tpu.memory_space<vmem>>, vector<1x16xf32>,
          %get3A_217 = vector.shape_cast %get3A_216 : vector<1x16xf32> to vector<16xf32>
          %add3A_218 = arith.addf %get3A_213, %get3A_217 : vector<16xf32>
          %get3A_219 = arith.index_cast %scan3A_46 : i32 to index
          %get3A_220 = arith.constant 96 : index
          %get3A_221 = tpu.vector_load %arg10[%get3A_219, %get3A_220] {strides = array<i32>} : memref<128x128xf32, #tpu.memory_space<vmem>>, vector<1x16xf32>,
          %get3A_222 = vector.shape_cast %get3A_221 : vector<1x16xf32> to vector<16xf32>
          %add3A_223 = arith.addf %add3A_218, %get3A_222 : vector<16xf32>
          %add3A_224 = arith.addf %mul3A_209, %add3A_223 : vector<16xf32>
          %swap3A_225 = arith.index_cast %scan3A_46 : i32 to index
          %swap3A_226 = arith.constant 96 : index
          %swap3A_227 = tpu.vector_load %arg15[%swap3A_225, %swap3A_226] {strides = array<i32>} : memref<128x128xf32, #tpu.memory_space<vmem>>, vector<1x16xf32>,
          %swap3A_228 = vector.shape_cast %swap3A_227 : vector<1x16xf32> to vector<16xf32>
          %swap3A_229 = vector.shape_cast %add3A_224 : vector<16xf32> to vector<1x16xf32>
          tpu.vector_store %arg15[%swap3A_225, %swap3A_226], %swap3A_229 {strides = array<i32>} : memref<128x128xf32, #tpu.memory_space<vmem>>, vector<1x16xf32>,
          %get3A_230 = arith.index_cast %scan3A_46 : i32 to index
          %get3A_231 = arith.constant 112 : index
          %get3A_232 = tpu.vector_load %arg9[%get3A_230, %get3A_231] {strides = array<i32>} : memref<128x128xf32, #tpu.memory_space<vmem>>, vector<1x16xf32>,
          %get3A_233 = vector.shape_cast %get3A_232 : vector<1x16xf32> to vector<16xf32>
          %mul3A_234 = arith.mulf %broadcast_in_dim3A, %get3A_233 : vector<16xf32>
          %get3A_235 = arith.index_cast %scan3A_46 : i32 to index
          %get3A_236 = arith.constant 112 : index
          %get3A_237 = tpu.vector_load %arg11[%get3A_235, %get3A_236] {strides = array<i32>} : memref<128x128xf32, #tpu.memory_space<vmem>>, vector<1x16xf32>,
          %get3A_238 = vector.shape_cast %get3A_237 : vector<1x16xf32> to vector<16xf32>
          %get3A_239 = arith.index_cast %scan3A_46 : i32 to index
          %get3A_240 = arith.constant 112 : index
          %get3A_241 = tpu.vector_load %arg12[%get3A_239, %get3A_240] {strides = array<i32>} : memref<128x128xf32, #tpu.memory_space<vmem>>, vector<1x16xf32>,
          %get3A_242 = vector.shape_cast %get3A_241 : vector<1x16xf32> to vector<16xf32>
          %add3A_243 = arith.addf %get3A_238, %get3A_242 : vector<16xf32>
          %get3A_244 = arith.index_cast %scan3A_46 : i32 to index
          %get3A_245 = arith.constant 112 : index
          %get3A_246 = tpu.vector_load %arg10[%get3A_244, %get3A_245] {strides = array<i32>} : memref<128x128xf32, #tpu.memory_space<vmem>>, vector<1x16xf32>,
          %get3A_247 = vector.shape_cast %get3A_246 : vector<1x16xf32> to vector<16xf32>
          %add3A_248 = arith.addf %add3A_243, %get3A_247 : vector<16xf32>
          %add3A_249 = arith.addf %mul3A_234, %add3A_248 : vector<16xf32>
          %swap3A_250 = arith.index_cast %scan3A_46 : i32 to index
          %swap3A_251 = arith.constant 112 : index
          %swap3A_252 = tpu.vector_load %arg15[%swap3A_250, %swap3A_251] {strides = array<i32>} : memref<128x128xf32, #tpu.memory_space<vmem>>, vector<1x16xf32>,
          %swap3A_253 = vector.shape_cast %swap3A_252 : vector<1x16xf32> to vector<16xf32>
          %swap3A_254 = vector.shape_cast %add3A_249 : vector<16xf32> to vector<1x16xf32>
          tpu.vector_store %arg15[%swap3A_250, %swap3A_251], %swap3A_254 {strides = array<i32>} : memref<128x128xf32, #tpu.memory_space<vmem>>, vector<1x16xf32>,
          %scan3A_255 = arith.constant 0 : i32
          scf.yield %scan3A_255 : i32
        }
        %scan3A_36 = arith.constant 128 : i32
        %lt3A_37 = arith.constant 78 : i32
        %lt3A_38 = arith.cmpi slt, %add3A_11, %lt3A_37 : i32
        %convert_element_type3A_39 = arith.extui %lt3A_38 : i1 to i32
        %cond3A_40 = arith.constant 0 : i32
        %cond3A_41 = arith.cmpi ne, %convert_element_type3A_39, %cond3A_40 : i32
        scf.if %cond3A_41 {
          "tpu.region"() ({
            %run_scoped3A_46 = tpu.sem_alloc : memref<!tpu.dma_semaphore, #tpu.memory_space<semaphore_mem>>
            %dma_start3A_47 = arith.constant 0 : i32
            %dma_start3A_48 = tpu.memref_slice %arg7[%mul3A_16, %dma_start3A_47] : memref<10000x128xf32, #tpu.memory_space<hbm>> -> memref<128x128xf32, #tpu.memory_space<hbm>>
            %dma_start3A_49 = arith.constant 0 : i32
            %dma_start3A_50 = tpu.memref_slice %arg7[%mul3A_16, %dma_start3A_49] : memref<10000x128xf32, #tpu.memory_space<hbm>> -> memref<128x128xf32, #tpu.memory_space<hbm>>
            tpu.enqueue_dma source(%arg15 : memref<128x128xf32, #tpu.memory_space<vmem>>) target(%dma_start3A_50 : memref<128x128xf32, #tpu.memory_space<hbm>>) target_semaphore(%run_scoped3A_46 : memref<!tpu.dma_semaphore, #tpu.memory_space<semaphore_mem>>)
            %dma_wait3A_51 = arith.constant 0 : i32
            %dma_wait3A_52 = tpu.memref_slice %arg7[%mul3A_16, %dma_wait3A_51] : memref<10000x128xf32, #tpu.memory_space<hbm>> -> memref<128x128xf32, #tpu.memory_space<hbm>>
            %dma_wait3A_53 = arith.constant 0 : i32
            %dma_wait3A_54 = tpu.memref_slice %arg7[%mul3A_16, %dma_wait3A_53] : memref<10000x128xf32, #tpu.memory_space<hbm>> -> memref<128x128xf32, #tpu.memory_space<hbm>>
            tpu.wait_dma2 semaphore(%run_scoped3A_46 : memref<!tpu.dma_semaphore, #tpu.memory_space<semaphore_mem>>) src(%arg15 : memref<128x128xf32, #tpu.memory_space<vmem>>) dst(%dma_wait3A_54 : memref<128x128xf32, #tpu.memory_space<hbm>>)
            tpu.yield
          }) : () -> ()
        } else {
        }
        %eq3A = arith.constant 78 : i32
        %eq3A_42 = arith.cmpi eq, %add3A_11, %eq3A : i32
        %convert_element_type3A_43 = arith.extui %eq3A_42 : i1 to i32
        %cond3A_44 = arith.constant 0 : i32
        %cond3A_45 = arith.cmpi ne, %convert_element_type3A_43, %cond3A_44 : i32
        scf.if %cond3A_45 {
          "tpu.region"() ({
            %run_scoped3A_46 = tpu.sem_alloc : memref<!tpu.dma_semaphore, #tpu.memory_space<semaphore_mem>>
            %dma_start3A_47 = arith.constant 0 : i32
            %dma_start3A_48 = arith.constant 0 : i32
            %dma_start3A_49 = tpu.memref_slice %arg15[%dma_start3A_47, %dma_start3A_48] : memref<128x128xf32, #tpu.memory_space<vmem>> -> memref<16x128xf32, #tpu.memory_space<vmem>>
            %dma_start3A_50 = arith.constant 0 : i32
            %dma_start3A_51 = tpu.memref_slice %arg7[%mul3A_16, %dma_start3A_50] : memref<10000x128xf32, #tpu.memory_space<hbm>> -> memref<16x128xf32, #tpu.memory_space<hbm>>
            %dma_start3A_52 = arith.constant 0 : i32
            %dma_start3A_53 = tpu.memref_slice %arg7[%mul3A_16, %dma_start3A_52] : memref<10000x128xf32, #tpu.memory_space<hbm>> -> memref<16x128xf32, #tpu.memory_space<hbm>>
            %dma_start3A_54 = arith.constant 0 : i32
            %dma_start3A_55 = arith.constant 0 : i32
            %dma_start3A_56 = tpu.memref_slice %arg15[%dma_start3A_54, %dma_start3A_55] : memref<128x128xf32, #tpu.memory_space<vmem>> -> memref<16x128xf32, #tpu.memory_space<vmem>>
            tpu.enqueue_dma source(%dma_start3A_56 : memref<16x128xf32, #tpu.memory_space<vmem>>) target(%dma_start3A_53 : memref<16x128xf32, #tpu.memory_space<hbm>>) target_semaphore(%run_scoped3A_46 : memref<!tpu.dma_semaphore, #tpu.memory_space<semaphore_mem>>)
            %dma_wait3A_57 = arith.constant 0 : i32
            %dma_wait3A_58 = arith.constant 0 : i32
            %dma_wait3A_59 = tpu.memref_slice %arg15[%dma_wait3A_57, %dma_wait3A_58] : memref<128x128xf32, #tpu.memory_space<vmem>> -> memref<16x128xf32, #tpu.memory_space<vmem>>
            %dma_wait3A_60 = arith.constant 0 : i32
            %dma_wait3A_61 = tpu.memref_slice %arg7[%mul3A_16, %dma_wait3A_60] : memref<10000x128xf32, #tpu.memory_space<hbm>> -> memref<16x128xf32, #tpu.memory_space<hbm>>
            %dma_wait3A_62 = arith.constant 0 : i32
            %dma_wait3A_63 = tpu.memref_slice %arg7[%mul3A_16, %dma_wait3A_62] : memref<10000x128xf32, #tpu.memory_space<hbm>> -> memref<16x128xf32, #tpu.memory_space<hbm>>
            %dma_wait3A_64 = arith.constant 0 : i32
            %dma_wait3A_65 = arith.constant 0 : i32
            %dma_wait3A_66 = tpu.memref_slice %arg15[%dma_wait3A_64, %dma_wait3A_65] : memref<128x128xf32, #tpu.memory_space<vmem>> -> memref<16x128xf32, #tpu.memory_space<vmem>>
            tpu.wait_dma2 semaphore(%run_scoped3A_46 : memref<!tpu.dma_semaphore, #tpu.memory_space<semaphore_mem>>) src(%dma_wait3A_66 : memref<16x128xf32, #tpu.memory_space<vmem>>) dst(%dma_wait3A_63 : memref<16x128xf32, #tpu.memory_space<hbm>>)
            tpu.yield
          }) : () -> ()
        } else {
        }
      } else {
      }
      %scan3A_14 = arith.constant 0 : i32
      scf.yield %scan3A_14 : i32
    }
    %scan3A_6 = arith.constant 3 : i32
    return
  }
}

module attributes {stable_mosaic.version = 14 : i64} {
  func.func @_mm3_body(%arg0: i32, %arg1: memref<1000x128xf32, #tpu.memory_space<vmem>>, %arg2: memref<128x128xf32, #tpu.memory_space<vmem>>, %arg3: memref<1x128xf32, #tpu.memory_space<vmem>>, %arg4: memref<128x128xf32, #tpu.memory_space<vmem>>, %arg5: memref<1x128xf32, #tpu.memory_space<vmem>>, %arg6: memref<128x128xf32, #tpu.memory_space<vmem>>, %arg7: memref<1x128xf32, #tpu.memory_space<vmem>>, %arg8: memref<1000x128xf32, #tpu.memory_space<vmem>>, %arg9: memref<1000x128xf32, #tpu.memory_space<vmem>>, %arg10: memref<1000x128xf32, #tpu.memory_space<vmem>>) attributes {dimension_semantics = [#tpu.dimension_semantics<arbitrary>], iteration_bounds = array<i64: 10>, scalar_prefetch = 0 : i64, scratch_operands = 0 : i64, tpu.core_type = #tpu.core_type<tc>, window_params = [{transform_indices = @transform_0, window_bounds = array<i64: 1000, 128>}, {pipeline_mode = #tpu.pipeline_mode<synchronous>, transform_indices = @transform_1, window_bounds = array<i64: 128, 128>}, {pipeline_mode = #tpu.pipeline_mode<synchronous>, transform_indices = @transform_2, window_bounds = array<i64: 1, 128>}, {pipeline_mode = #tpu.pipeline_mode<synchronous>, transform_indices = @transform_3, window_bounds = array<i64: 128, 128>}, {pipeline_mode = #tpu.pipeline_mode<synchronous>, transform_indices = @transform_4, window_bounds = array<i64: 1, 128>}, {pipeline_mode = #tpu.pipeline_mode<synchronous>, transform_indices = @transform_5, window_bounds = array<i64: 128, 128>}, {pipeline_mode = #tpu.pipeline_mode<synchronous>, transform_indices = @transform_6, window_bounds = array<i64: 1, 128>}, {transform_indices = @transform_7, window_bounds = array<i64: 1000, 128>}, {transform_indices = @transform_8, window_bounds = array<i64: 1000, 128>}, {transform_indices = @transform_9, window_bounds = array<i64: 1000, 128>}]} {
    %get3A = arith.constant 0 : index
    %get3A_0 = arith.constant 0 : index
    %get3A_1 = vector.load %arg1[%get3A, %get3A_0] : memref<1000x128xf32, #tpu.memory_space<vmem>>, vector<1000x128xf32>
    %get3A_2 = arith.constant 0 : index
    %get3A_3 = arith.constant 0 : index
    %get3A_4 = vector.load %arg2[%get3A_2, %get3A_3] : memref<128x128xf32, #tpu.memory_space<vmem>>, vector<128x128xf32>
    %dot_general3A = arith.constant dense<0.000000e+00> : vector<1000x128xf32>
    %dot_general3A_5 = tpu.matmul %get3A_1, %get3A_4, %dot_general3A {dimension_numbers = #tpu.dot_dimension_numbers<[1], [1], [0], [0], [0, 0, 1, 0], [], []>, transpose_lhs_hint = false} : vector<1000x128xf32>, vector<128x128xf32>, vector<1000x128xf32> -> vector<1000x128xf32>
    %get3A_6 = arith.constant 0 : index
    %get3A_7 = arith.constant 0 : index
    %get3A_8 = vector.load %arg3[%get3A_6, %get3A_7] : memref<1x128xf32, #tpu.memory_space<vmem>>, vector<1x128xf32>
    %add3A = vector.broadcast %get3A_8 : vector<1x128xf32> to vector<1000x128xf32>
    %add3A_9 = arith.addf %dot_general3A_5, %add3A : vector<1000x128xf32>
    %swap3A = arith.constant 0 : index
    %swap3A_10 = arith.constant 0 : index
    %swap3A_11 = vector.load %arg8[%swap3A, %swap3A_10] : memref<1000x128xf32, #tpu.memory_space<vmem>>, vector<1000x128xf32>
    tpu.vector_store %arg8[%swap3A, %swap3A_10], %add3A_9 {strides = array<i32>} : memref<1000x128xf32, #tpu.memory_space<vmem>>, vector<1000x128xf32>,
    %get3A_12 = arith.constant 0 : index
    %get3A_13 = arith.constant 0 : index
    %get3A_14 = vector.load %arg4[%get3A_12, %get3A_13] : memref<128x128xf32, #tpu.memory_space<vmem>>, vector<128x128xf32>
    %dot_general3A_15 = arith.constant dense<0.000000e+00> : vector<1000x128xf32>
    %dot_general3A_16 = tpu.matmul %get3A_1, %get3A_14, %dot_general3A_15 {dimension_numbers = #tpu.dot_dimension_numbers<[1], [1], [0], [0], [0, 0, 1, 0], [], []>, transpose_lhs_hint = false} : vector<1000x128xf32>, vector<128x128xf32>, vector<1000x128xf32> -> vector<1000x128xf32>
    %get3A_17 = arith.constant 0 : index
    %get3A_18 = arith.constant 0 : index
    %get3A_19 = vector.load %arg5[%get3A_17, %get3A_18] : memref<1x128xf32, #tpu.memory_space<vmem>>, vector<1x128xf32>
    %add3A_20 = vector.broadcast %get3A_19 : vector<1x128xf32> to vector<1000x128xf32>
    %add3A_21 = arith.addf %dot_general3A_16, %add3A_20 : vector<1000x128xf32>
    %swap3A_22 = arith.constant 0 : index
    %swap3A_23 = arith.constant 0 : index
    %swap3A_24 = vector.load %arg9[%swap3A_22, %swap3A_23] : memref<1000x128xf32, #tpu.memory_space<vmem>>, vector<1000x128xf32>
    tpu.vector_store %arg9[%swap3A_22, %swap3A_23], %add3A_21 {strides = array<i32>} : memref<1000x128xf32, #tpu.memory_space<vmem>>, vector<1000x128xf32>,
    %get3A_25 = arith.constant 0 : index
    %get3A_26 = arith.constant 0 : index
    %get3A_27 = vector.load %arg6[%get3A_25, %get3A_26] : memref<128x128xf32, #tpu.memory_space<vmem>>, vector<128x128xf32>
    %dot_general3A_28 = arith.constant dense<0.000000e+00> : vector<1000x128xf32>
    %dot_general3A_29 = tpu.matmul %get3A_1, %get3A_27, %dot_general3A_28 {dimension_numbers = #tpu.dot_dimension_numbers<[1], [1], [0], [0], [0, 0, 1, 0], [], []>, transpose_lhs_hint = false} : vector<1000x128xf32>, vector<128x128xf32>, vector<1000x128xf32> -> vector<1000x128xf32>
    %get3A_30 = arith.constant 0 : index
    %get3A_31 = arith.constant 0 : index
    %get3A_32 = vector.load %arg7[%get3A_30, %get3A_31] : memref<1x128xf32, #tpu.memory_space<vmem>>, vector<1x128xf32>
    %add3A_33 = vector.broadcast %get3A_32 : vector<1x128xf32> to vector<1000x128xf32>
    %add3A_34 = arith.addf %dot_general3A_29, %add3A_33 : vector<1000x128xf32>
    %swap3A_35 = arith.constant 0 : index
    %swap3A_36 = arith.constant 0 : index
    %swap3A_37 = vector.load %arg10[%swap3A_35, %swap3A_36] : memref<1000x128xf32, #tpu.memory_space<vmem>>, vector<1000x128xf32>
    tpu.vector_store %arg10[%swap3A_35, %swap3A_36], %add3A_34 {strides = array<i32>} : memref<1000x128xf32, #tpu.memory_space<vmem>>, vector<1000x128xf32>,
    return
  }
  func.func @transform_0(%arg0: i32) -> (i32, i32) {
    %c0_i32 = arith.constant 0 : i32
    %c0_i32_0 = arith.constant 0 : i32
    return %arg0, %c0_i32 : i32, i32
  }
  func.func @transform_1(%arg0: i32) -> (i32, i32) {
    %c0_i32 = arith.constant 0 : i32
    %c0_i32_0 = arith.constant 0 : i32
    %c0_i32_1 = arith.constant 0 : i32
    return %c0_i32, %c0_i32_0 : i32, i32
  }
  func.func @transform_2(%arg0: i32) -> (i32, i32) {
    %c0_i32 = arith.constant 0 : i32
    %c0_i32_0 = arith.constant 0 : i32
    %c0_i32_1 = arith.constant 0 : i32
    return %c0_i32, %c0_i32_0 : i32, i32
  }
  func.func @transform_3(%arg0: i32) -> (i32, i32) {
    %c0_i32 = arith.constant 0 : i32
    %c0_i32_0 = arith.constant 0 : i32
    %c0_i32_1 = arith.constant 0 : i32
    return %c0_i32, %c0_i32_0 : i32, i32
  }
  func.func @transform_4(%arg0: i32) -> (i32, i32) {
    %c0_i32 = arith.constant 0 : i32
    %c0_i32_0 = arith.constant 0 : i32
    %c0_i32_1 = arith.constant 0 : i32
    return %c0_i32, %c0_i32_0 : i32, i32
  }
  func.func @transform_5(%arg0: i32) -> (i32, i32) {
    %c0_i32 = arith.constant 0 : i32
    %c0_i32_0 = arith.constant 0 : i32
    %c0_i32_1 = arith.constant 0 : i32
    return %c0_i32, %c0_i32_0 : i32, i32
  }
  func.func @transform_6(%arg0: i32) -> (i32, i32) {
    %c0_i32 = arith.constant 0 : i32
    %c0_i32_0 = arith.constant 0 : i32
    %c0_i32_1 = arith.constant 0 : i32
    return %c0_i32, %c0_i32_0 : i32, i32
  }
  func.func @transform_7(%arg0: i32) -> (i32, i32) {
    %c0_i32 = arith.constant 0 : i32
    %c0_i32_0 = arith.constant 0 : i32
    return %arg0, %c0_i32 : i32, i32
  }
  func.func @transform_8(%arg0: i32) -> (i32, i32) {
    %c0_i32 = arith.constant 0 : i32
    %c0_i32_0 = arith.constant 0 : i32
    return %arg0, %c0_i32 : i32, i32
  }
  func.func @transform_9(%arg0: i32) -> (i32, i32) {
    %c0_i32 = arith.constant 0 : i32
    %c0_i32_0 = arith.constant 0 : i32
    return %arg0, %c0_i32 : i32, i32
  }
}

</mosaic_0001>

<sc_bundles>
// kernel: kernel.5.cloned.1.call-start
scs
__scs_entry_jumppad:
0x0: {  	(pc) =	sbr.rel $0x88, $3  }
0x1: {  	(tag) =	ssettag $0x0;
	lr =	simm.s32 $0x1  }
0x2: {  	[smem:$0x3F96] =	sst lr;
	_ =	strace $0xD0000000  }
0x3: {  	_ = 	snop  }
0x4: {  	_ = 	snop  }
0x5: {  	_ = 	snop  }
0x6: {  	_ = 	snop  }
0x7: {  	_ = 	snop  }
__scs_overlays_trampoline_lowered:
0x8: {  	[smem:$0x3FA5] =	sst s0  }
0x9: {  	[smem:$0x3FA6] =	sst s1  }
0xa: {  	[smem:$0x3FA7] =	sst s2  }
0xb: {  	[smem:$0x3FA8] =	sst s3  }
0xc: {  	[smem:$0x3FA9] =	sst s4  }
0xd: {  	[smem:$0x3FAA] =	sst s5  }
0xe: {  	[smem:$0x3FAB] =	sst s6  }
0xf: {  	[smem:$0x3FAC] =	sst s7  }
0x10: {  	[smem:$0x3FAD] =	sst s8  }
0x11: {  	[smem:$0x3FAE] =	sst s9;
	s0 =	simm.s32 @!p0 $0x0  }
0x12: {  	s1 =	sld [smem:$0x3F94];
	s0 =	simm.s32 @p0 $0x1  }
0x13: {  	[smem:$0x3FAF] =	sst s0;
	s0 =	simm.s32 @!p1 $0x0  }
0x14: {  	s2 =	sld [smem:$0x3F93];
	s0 =	simm.s32 @p1 $0x1  }
0x15: {  	[smem:$0x3FB0] =	sst s0;
	s0 =	simm.s32 @!p2 $0x0  }
0x16: {  	s3 =	sld [smem:$0x3FDB];
	s0 =	simm.s32 @p2 $0x1  }
0x17: {  	s4 =	simm.s32 $0x1BF5;
	[smem:$0x3FB2] =	sst s0  }
0x18: {  	s0 =	sld [smem:$0x3F95];
	_ =	swait.ge [sflag:s4], $0x0  }
0x19: {  	s7 =	sld [smem:$0x3F96]  }
0x1a: {  	s8 =	sadd.s32 $0xFFFFE003, lr  }
0x1b: {  	s9 =	sadd.s32 $0xFFFFFEF7, lr;
	s5 =	simm.s32 $0xFFFFFFFF;
	p2 =	slt.u32 s8, $0xFFFFF086  }
0x1c: {  	p1 =	slt.u32 s9, $0xF7A;
	s5 =	simm.s32 @!p2 $0x0  }
0x1d: {  	s5 =	simm.s32 @p1 $0x1;
	p0 =	seq.s32 s7, s2  }
0x1e: {  	s7 =	smul.u32 @!p0 $0xF7A, s2;
	p2 =	seq.s32 @!p0 s5, $0x0  }
0x1f: {  	s9 =	smul.u32 $0xF7A, s1;
	s8 =	simm.s32 @!p0 $0x1BF5;
	p2 =	por !p2, p0  }
0x20: {  	[sflag:s8] =	ssyncset.s32 @!p0 $0xFFFFF086;
	s6 =	sadd.s32 @!p0 s3, s7;
	s7 =	simm.s32 @!p0 $0x108  }
0x21: {  	s3 =	sadd.s32 s3, s9;
	s6 =	sadd.s32 @!p0 $0x88, s6;
	s7 =	simm.s32 @p2 $0x1082  }
0x22: {  	[simem:s7], [sflag:s8] =	dma.local @!p0 [hbm:s6], $0xF7A  }
0x23: {  	s9 =	sor.u32 $0xD0000000, s2;
	s6 =	simm.s32 $0x108;
	_ =	swait.ge @!p0 [sflag:s8], $0x0  }
0x24: {  	s3 =	sadd.s32 $0x88, s3;
	s6 =	simm.s32 @!p1 $0x1082;
	[sflag:s4] =	ssyncset.s32 $0xFFFFF086  }
0x25: {  	[simem:s6], [sflag:s4] =	dma.local [hbm:s3], $0xF7A  }
0x26: {  	[smem:$0x3F96] =	sst s1;
	(tag) =	ssettag s2;
	_ =	strace s9  }
0x27: {  	s1 =	sld [smem:$0x3FA6]  }
0x28: {  	s2 =	sld [smem:$0x3FA7]  }
0x29: {  	s4 =	sld [smem:$0x3FA9]  }
0x2a: {  	p0 =	seq.s32 s5, $0x0;
	s5 =	sld [smem:$0x3FAA]  }
0x2b: {  	s6 =	sld [smem:$0x3FAB]  }
0x2c: {  	s7 =	sld [smem:$0x3FAC]  }
0x2d: {  	s3 =	simm.s32 $0x108;
	s8 =	sld [smem:$0x3FAD]  }
0x2e: {  	s3 =	simm.s32 @!p0 $0x1082;
	s9 =	sld [smem:$0x3FAE]  }
0x2f: {  	lr =	sadd.s32 s0, s3;
	s0 =	sld [smem:$0x3FA5]  }
0x30: {  	s3 =	sld [smem:$0x3FA8]  }
0x31: {  	[smem:$0x3FB1] =	sst s10  }
0x32: {  	s10 =	sld [smem:$0x3FAF];
	_ =	sdelay $0x3  }
0x33: {  	p0 =	seq.s32 s10, $0x1;
	s10 =	sld [smem:$0x3FB1];
	_ =	sdelay $0x3  }
0x34: {  	[smem:$0x3FB1] =	sst s10  }
0x35: {  	s10 =	sld [smem:$0x3FB0];
	_ =	sdelay $0x3  }
0x36: {  	p1 =	seq.s32 s10, $0x1;
	s10 =	sld [smem:$0x3FB1];
	_ =	sdelay $0x3  }
0x37: {  	[smem:$0x3FB1] =	sst s10  }
0x38: {  	s10 =	sld [smem:$0x3FB2]  }
0x39: {  	_ = 	snop;
	(pc) =	sbr.ind lr, $3  }
0x3a: {  	_ = 	snop  }
0x3b: {  	_ = 	snop  }
0x3c: {  	p2 =	seq.s32 s10, $0x1;
	s10 =	sld [smem:$0x3FB1]  }
0x3d: {  	_ =	shalt  }
0x3e: {  	_ =	shalt  }
0x3f: {  	_ =	shalt  }
0x40: {  	_ =	shalt  }
0x41: {  	_ =	shalt  }
0x42: {  	_ =	shalt  }
0x43: {  	_ =	shalt  }
0x44: {  	_ =	shalt  }
0x45: {  	_ =	shalt  }
0x46: {  	_ =	shalt  }
0x47: {  	_ =	shalt  }
0x48: {  	_ =	shalt  }
0x49: {  	_ =	shalt  }
0x4a: {  	_ =	shalt  }
0x4b: {  	_ =	shalt  }
0x4c: {  	_ =	shalt  }
0x4d: {  	_ =	shalt  }
0x4e: {  	_ =	shalt  }
0x4f: {  	_ =	shalt  }
0x50: {  	_ =	shalt  }
0x51: {  	_ =	shalt  }
0x52: {  	_ =	shalt  }
0x53: {  	_ =	shalt  }
0x54: {  	_ =	shalt  }
0x55: {  	_ =	shalt  }
0x56: {  	_ =	shalt  }
0x57: {  	_ =	shalt  }
0x58: {  	_ =	shalt  }
0x59: {  	_ =	shalt  }
0x5a: {  	_ =	shalt  }
0x5b: {  	_ =	shalt  }
0x5c: {  	_ =	shalt  }
0x5d: {  	_ =	shalt  }
0x5e: {  	_ =	shalt  }
0x5f: {  	_ =	shalt  }
0x60: {  	_ =	shalt  }
0x61: {  	_ =	shalt  }
0x62: {  	_ =	shalt  }
0x63: {  	_ =	shalt  }
0x64: {  	_ =	shalt  }
0x65: {  	_ =	shalt  }
0x66: {  	_ =	shalt  }
0x67: {  	_ =	shalt  }
0x68: {  	_ =	shalt  }
0x69: {  	_ =	shalt  }
0x6a: {  	_ =	shalt  }
0x6b: {  	_ =	shalt  }
0x6c: {  	_ =	shalt  }
0x6d: {  	_ =	shalt  }
0x6e: {  	_ =	shalt  }
0x6f: {  	_ =	shalt  }
0x70: {  	_ =	shalt  }
0x71: {  	_ =	shalt  }
0x72: {  	_ =	shalt  }
0x73: {  	_ =	shalt  }
0x74: {  	_ =	shalt  }
0x75: {  	_ =	shalt  }
0x76: {  	_ =	shalt  }
0x77: {  	_ =	shalt  }
0x78: {  	_ =	shalt  }
0x79: {  	_ =	shalt  }
0x7a: {  	_ =	shalt  }
0x7b: {  	_ =	shalt  }
0x7c: {  	_ =	shalt  }
0x7d: {  	_ =	shalt  }
0x7e: {  	_ =	shalt  }
0x7f: {  	_ =	shalt  }
0x80: {  	_ =	shalt  }
0x81: {  	_ =	shalt  }
0x82: {  	_ =	shalt  }
0x83: {  	_ =	shalt  }
0x84: {  	_ =	shalt  }
0x85: {  	_ =	shalt  }
0x86: {  	_ =	shalt  }
0x87: {  	_ =	shalt  }
.Lfunc_end0:
.L_simem_size_0:
called_computation_lowered:
.L_overlay_start_0:
0x88: {  	s2 =	sld [smem:$0x3FD9]  }
0x89: {  	s3 =	sld [smem:$0x3FFE];
	_ =	sdelay $0x1  }
0x8a: {  	s1 =	srdreg.scid  }
0x8b: {  	s0 =	sand.u32 $0x1, s1  }
0x8c: {  	s17 =	sshll.u32 s0, $0xA;
	s2 =	sadd.s32 s3, s2  }
0x8d: {  	s2 =	sadd.s32 s2, s17  }
0x8e: {  	[smem:$0x3FBD] =	sst s2  }
0x8f: {  	_ = 	snop  }
0x90: {  	s2 =	sld [smem:$0x3FC5]  }
0x91: {  	s18 =	sld [smem:$0x3FD0];
	(tm) =	ssettm $0x1  }
0x92: {  	s4 =	sld [smem:$0x3FFB];
	_ =	sdelay $0x3  }
0x93: {  	_ =	strace s4  }
0x94: {  	s4 =	sld [smem:$0x3FFC];
	_ =	sdelay $0x3  }
0x95: {  	_ =	strace s4  }
0x96: {  	s4 =	sld [smem:$0x3FFD];
	_ =	sdelay $0x3  }
0x97: {  	_ =	strace s4  }
0x98: {  	_ =	strace $0x8FFFFFFF  }
0x99: {  	s19 =	sld [smem:$0x3FDB];
	_ =	sdelay $0x1  }
0x9a: {  	s5 =	simm.s32 $_scs_section_size  }
0x9b: {  	s6 =	simm.s32 $_size__tile_overlayer_lowered;
	s7 =	simm.s32 $_tile_overlayer_lowered  }
0x9c: {  	s22 =	simm.s32 $0x1BFF;
	s21 =	sshll.u32 s7, $0x1;
	s4 =	sadd.s32 s5, s19  }
0x9d: {  	s8 =	simm.s32 $0x0;
	s20 =	sshll.u32 s6, $0x1;
	s6 =	sadd.s32 s21, s4  }
0x9e: {  	[timem:s8], [sflag:s22] =	dma.local [hbm:s6], s20  }
0x9f: {  	_ =	swait.ge [sflag:s22], s20  }
0xa0: {  	s5 =	ssub.s32 $0x0, s20;
	[sflag:s22] =	ssyncset.done $0x0  }
0xa1: {  	[sflag:s22] =	ssyncadd.s32 s5;
	_ =	sdelay $0x1  }
0xa2: {  	s23 =	simm.s32 $0x1B8B  }
0xa3: {  	_ =	swait.ge [sflag:s23], $0x1  }
0xa4: {  	[sflag:s23] =	ssyncset.done $0x0  }
0xa5: {  	s25 =	simm.s32 $0x1B8E;
	s24 =	sld [smem:$0x3FFE];
	[sflag:s23] =	ssyncadd.s32 $0xFFFFFFFF  }
0xa6: {  	s26 =	simm.s32 $execute0_lowered;
	[smem:$0x3FD2] =	sst s25  }
0xa7: {  	s6 =	sshll.u32 s26, $0x1;
	_ =	strace $0x80000046;
	[dreg:$0x1] =	wrdreg $0xFFFFFFFF  }
0xa8: {  	s28 =	simm.s32 $_size_execute0_lowered;
	s4 =	sadd.s32 s4, s6;
	[dreg:$0x0] =	wrdreg $0x0  }
0xa9: {  	s6 =	sshll.u32 s28, $0x1;
	[dreg:$0x2] =	wrdreg s4  }
0xaa: {  	[dreg:$0x3] =	wrdreg s6  }
0xab: {  	[dreg:$0x4] =	wrdreg $0xC0  }
0xac: {  	_ =	task [dreg:s8], $0x5FFFF  }
0xad: {  	[dreg:$0x1] =	wrdreg $0xFFFFFFFF  }
0xae: {  	[dreg:$0x0] =	wrdreg $0x60  }
0xaf: {  	[dreg:$0x2] =	wrdreg s18  }
0xb0: {  	[dreg:$0x3] =	wrdreg s24  }
0xb1: {  	[dreg:$0x4] =	wrdreg s2  }
0xb2: {  	[dreg:$0x5] =	wrdreg $0x0  }
0xb3: {  	[dreg:$0x6] =	wrdreg $0x140000  }
0xb4: {  	[dreg:$0x7] =	wrdreg $0x9  }
0xb5: {  	_ =	task.clear_ibuf [dreg:s8], $0x8FFFF;
	_ =	strace $0x90000046  }
0xb6: {  	s29 =	simm.s32 $0x9;
	_ =	strace $0x80000048  }
0xb7: {  	_ =	swait.ge [sflag:s29], $0x1  }
0xb8: {  	[sflag:s29] =	ssyncadd.s32 $0xFFFFFFFF  }
0xb9: {  	_ =	strace $0x90000048  }
0xba: {  	_ =	sfence  }
0xbb: {  	s30 =	sld [smem:$0x0];
	_ =	sdelay $0x2  }
0xbc: {  	s31 =	sshll.u32 s1, $0xD;
	s1 =	sshrl.u32 s1, $0x2  }
0xbd: {  	s3 =	sand.u32 $0x4000, s31;
	s1 =	sadd.s32 s1, s30  }
0xbe: {  	s0 =	sor.u32 s3, s0;
	s1 =	sshll.u32 s1, $0x11  }
0xbf: {  	s0 =	sor.u32 s1, s0  }
0xc0: {  	s0 =	sadd.s32 $0x8F2B, s0  }
0xc1: {  	[sflag:s0] =	ssyncadd.remote.s32 $0x1  }
0xc2: {  	_ =	sfence.sel $0xFFFF  }
0xc3: {  	[dreg:$0x0] =	wrdreg $0xFFFFFFFF;
	(pc) =	sbr.abs _section_cstart, $3  }
0xc4: {  	[dreg:$0x1] =	wrdreg $0xFFFFFFFF  }
0xc5: {  	_ =	task.clear_ibuf [dreg:s8], $0x2FFFF;
	_ =	strace $0x9FFFFFFF  }
0xc6: {  	(tm) =	ssettm $0x7FFFFFFF  }
0xc7: {  	_ =	shalt  }
tec
execute0_lowered:
.L_overlay_start_1:
0x0: {  	(tag) =	ssettag $0x1  }
0x1: {  	s0 =	rddreg [dreg:$0x0]  }
0x2: {  	s2 =	rddreg [dreg:$0x1]  }
0x3: {  	s1 =	rddreg [dreg:$0x2]  }
0x4: {  	s3 =	rddreg [dreg:$0x3]  }
0x5: {  	s4 =	srdreg.scid;
	s5 =	rddreg [dreg:$0x4]  }
0x6: {  	s19 =	stileid.u32;
	s6 =	simm.s32 $0x0;
	s28 =	simm.s32 $0x14480  }
0x7: {  	s29 =	simm.s32 $0x80;
	s30 =	simm.s32 $0x1;
	s10 =	smul.u32 $0x280, s19  }
0x8: {  	s31 =	simm.s32 $0x14300;
	s4 =	sand.u32 $0x1, s4;
	s13 =	smul.u32 $0x50000, s19  }
0x9: {  	[smem:$0x7FF] =	sst s6;
	s7 =	sadd.s32 $0x2C00, s2;
	s8 =	smul.u32 $0x28000, s4  }
0xa: {  	s21 =	sshll.u32 s19, $0x1;
	s9 =	smul.u32 $0x2800, s4;
	s20 =	ssub.s32 $0x2, s4  }
0xb: {  	_ =	strace $0x80000047;
	s12 =	sshrl.u32 s20, $0x1;
	s15 =	sadd.s32 $0x80, s10  }
0xc: {  	s22 =	sshrl.u32 s13, $0x2;
	s25 =	sadd.s32 $0x100, s10;
	s26 =	sadd.s32 $0x180, s10  }
0xd: {  	s16 =	sadd.s32 $0x200, s10;
	s13 =	simm.s32 $0x0;
	s11 =	sadd.s32 s8, s2  }
0xe: {  	s18 =	sadd.s32 s10, s9;
	s12 =	ssub.s32 s20, s12;
	s23 =	sshll.u32 s15, $0x7  }
0xf: {  	s9 =	sadd.s32 s22, s3;
	s14 =	sshll.u32 s25, $0x7;
	s17 =	sshll.u32 s26, $0x7  }
0x10: {  	s20 =	sadd.s32 s15, s5;
	s22 =	sadd.s32 s16, s5;
	s8 =	sshrl.u32 s18, $0x3  }
0x11: {  	s24 =	sadd.s32 s23, s3;
	s18 =	sshll.u32 s16, $0x7;
	[dreg:$0xa] =	wrdreg s20  }
0x12: {  	s14 =	sadd.s32 s14, s3;
	s17 =	sadd.s32 s17, s3;
	[dreg:$0xd] =	wrdreg s22  }
0x13: {  	s22 =	smax.u32 s12, $0x1;
	s12 =	simm.s32 $0x14580;
	[dreg:$0x6] =	wrdreg s24  }
0x14: {  	s2 =	sadd.s32 s8, s2;
	s8 =	sor.u32 s4, s21;
	[dreg:$0x7] =	wrdreg s14  }
0x15: {  	[dreg:$0x8] =	wrdreg s17;
	s18 =	sadd.s32 s18, s3;
	s14 =	sadd.s32 s10, s5  }
0x16: {  	s4 =	sadd.s32 s25, s5;
	s21 =	sadd.s32 s26, s5;
	[dreg:$0x9] =	wrdreg s18  }
0x17: {  	s25 =	smul.u32 $0x2800, s19;
	s26 =	sadd.s32 $0x64A00, s11;
	[dreg:$0xb] =	wrdreg s4  }
0x18: {  	s10 =	simm.s32 $0x14400;
	s11 =	simm.s32 $0x18680;
	[dreg:$0xc] =	wrdreg s21  }
.Ltmp0:
0x19: {  	s23 =	sshll.u32 s8, $0x5;
	s2 =	sadd.s32 $0xB4A00, s2;
	(pc) =	sbr.rel .LBB2_1-.Ltmp0, $4  }
0x1a: {  	s24 =	sshll.u32 s8, $0x4;
	s4 =	sadd.s32 s7, s23;
	[dreg:$0x10] =	wrdreg s2  }
0x1b: {  	s23 =	simm.s32 $0x14680;
	s2 =	simm.s32 $0x4;
	[dreg:$0xe] =	wrdreg s4  }
0x1c: {  	s4 =	sadd.s32 s1, s24;
	s24 =	sadd.s32 s25, s26;
	s25 =	simm.s32 $0x3  }
0x1d: {  	v0 =	vimm.f32 $0.0e+00;
	s26 =	simm.s32 $0x14280;
	[dreg:$0xf] =	wrdreg s4;
	s4 =	simm.s32 $0x2  }
.LBB2_14:
0x1e: {  	s15 =	stileid.u32  }
0x1f: {  	s15 =	sshll.u32 s15, $0x6  }
0x20: {  	[bflag:$0x0] =	sbarrier.arrive $0xFFFF;
	s16 =	sshrl.u32 s9, $0x3;
	s15 =	sor.u32 $0x1C03, s15  }
0x21: {  	[hbm:s24], [sflag:s15] =	dma.local [spmem:s16], $0x2800  }
0x22: {  	s13 =	sadd.s32 $0x1, s13;
	_ =	swait.ge [sflag:s25], $0x2800  }
0x23: {  	s21 =	sshrl.u32 s14, $0x3;
	p0 =	sne.s32 s13, s22;
	[sflag:s25] =	ssyncset.done $0x0  }
.Ltmp1:
0x24: {  	s17 =	rddreg [dreg:$0x10];
	[sflag:s25] =	ssyncadd.s32 $0xFFFFD800;
	(pc) =	sbr.rel @!p0 .LBB2_15-.Ltmp1, $4  }
0x25: {  	[hbm:s17], [sflag:s15] =	dma.local [spmem:s21], $0x50  }
0x26: {  	_ =	swait.ge [sflag:s25], $0x50  }
0x27: {  	[sflag:s25] =	ssyncset.done $0x0  }
0x28: {  	[sflag:s25] =	ssyncadd.s32 $0xFFFFFFB0  }
.LBB2_1:
0x29: {  	s15 =	simm.s32 $0x0;
	s16 =	simm.s32 $0x200  }
.LBB2_2:
0x2a: {  	p0 =	sne.s32 s16, $0xFE00;
	[tilespmem:s15+$0x146F0] =	vst v0  }
0x2b: {  	[tilespmem:s15+$0x14680] =	vst v0  }
0x2c: {  	[tilespmem:s15+$0x14690] =	vst v0  }
.Ltmp2:
0x2d: {  	[tilespmem:s15+$0x146A0] =	vst v0;
	(pc) =	sbr.rel @p0 .LBB2_2-.Ltmp2, $4  }
0x2e: {  	[tilespmem:s15+$0x146B0] =	vst v0  }
0x2f: {  	[tilespmem:s15+$0x146C0] =	vst v0  }
0x30: {  	[tilespmem:s15+$0x146D0] =	vst v0  }
0x31: {  	[tilespmem:s15+$0x146E0] =	vst v0;
	s15 =	sshra.s32 s16, $0x2;
	s16 =	sadd.s32 $0x200, s16  }
0x32: {  	[tilespmem:s15+$0x146F0] =	vst v0  }
0x33: {  	[tilespmem:s15+$0x14680] =	vst v0  }
0x34: {  	[tilespmem:s15+$0x14690] =	vst v0  }
0x35: {  	[tilespmem:s15+$0x146A0] =	vst v0  }
0x36: {  	[tilespmem:s15+$0x146B0] =	vst v0  }
0x37: {  	[tilespmem:s15+$0x146C0] =	vst v0  }
0x38: {  	[tilespmem:s15+$0x146D0] =	vst v0  }
0x39: {  	[tilespmem:s15+$0x146E0] =	vst v0  }
0x3a: {  	[spmem:s9] =	stream.linear.scatter [tilespmem:s23], [sflag:$0x3], $0x4000, $0x38;
	[tilespmem:$0x1C680] =	vst v63  }
0x3b: {  	_ =	swait.ge [sflag:s25], $0x4000  }
0x3c: {  	[sflag:s25] =	ssyncset.done $0x0  }
0x3d: {  	s19 =	rddreg [dreg:$0x6];
	[sflag:s25] =	ssyncadd.s32 $0xFFFFC000  }
0x3e: {  	[spmem:s19] =	stream.linear.scatter [tilespmem:s23], [sflag:$0x3], $0x4000, $0x38;
	[tilespmem:$0x1C680] =	vst v63  }
0x3f: {  	_ =	swait.ge [sflag:s25], $0x4000  }
0x40: {  	[sflag:s25] =	ssyncset.done $0x0  }
0x41: {  	s20 =	rddreg [dreg:$0x7];
	[sflag:s25] =	ssyncadd.s32 $0xFFFFC000  }
0x42: {  	[spmem:s20] =	stream.linear.scatter [tilespmem:s23], [sflag:$0x3], $0x4000, $0x38;
	[tilespmem:$0x1C680] =	vst v63  }
0x43: {  	_ =	swait.ge [sflag:s25], $0x4000  }
0x44: {  	[sflag:s25] =	ssyncset.done $0x0  }
0x45: {  	s21 =	rddreg [dreg:$0x8];
	[sflag:s25] =	ssyncadd.s32 $0xFFFFC000  }
0x46: {  	[spmem:s21] =	stream.linear.scatter [tilespmem:s23], [sflag:$0x3], $0x4000, $0x38;
	[tilespmem:$0x1C680] =	vst v63  }
0x47: {  	_ =	swait.ge [sflag:s25], $0x4000  }
0x48: {  	[sflag:s25] =	ssyncset.done $0x0  }
0x49: {  	s16 =	rddreg [dreg:$0x9];
	[sflag:s25] =	ssyncadd.s32 $0xFFFFC000  }
0x4a: {  	[spmem:s16] =	stream.linear.scatter [tilespmem:s23], [sflag:$0x3], $0x4000, $0x38;
	[tilespmem:$0x1C680] =	vst v63  }
0x4b: {  	_ =	swait.ge [sflag:s25], $0x4000  }
0x4c: {  	[sflag:s25] =	ssyncset.done $0x0  }
0x4d: {  	[sflag:s25] =	ssyncadd.s32 $0xFFFFC000  }
0x4e: {  	[spmem:s14] =	stream.linear.scatter [tilespmem:s23], [sflag:$0x3], $0x80, $0x38;
	[tilespmem:$0x1C680] =	vst v63  }
0x4f: {  	_ =	swait.ge [sflag:s25], $0x80  }
0x50: {  	[sflag:s25] =	ssyncset.done $0x0  }
0x51: {  	s17 =	rddreg [dreg:$0xa];
	[sflag:s25] =	ssyncadd.s32 $0xFFFFFF80  }
0x52: {  	[spmem:s17] =	stream.linear.scatter [tilespmem:s23], [sflag:$0x3], $0x80, $0x38;
	[tilespmem:$0x1C680] =	vst v63  }
0x53: {  	_ =	swait.ge [sflag:s25], $0x80  }
0x54: {  	[sflag:s25] =	ssyncset.done $0x0  }
0x55: {  	s18 =	rddreg [dreg:$0xb];
	[sflag:s25] =	ssyncadd.s32 $0xFFFFFF80  }
0x56: {  	[spmem:s18] =	stream.linear.scatter [tilespmem:s23], [sflag:$0x3], $0x80, $0x38;
	[tilespmem:$0x1C680] =	vst v63  }
0x57: {  	_ =	swait.ge [sflag:s25], $0x80  }
0x58: {  	[sflag:s25] =	ssyncset.done $0x0  }
0x59: {  	s19 =	rddreg [dreg:$0xc];
	[sflag:s25] =	ssyncadd.s32 $0xFFFFFF80  }
0x5a: {  	[spmem:s19] =	stream.linear.scatter [tilespmem:s23], [sflag:$0x3], $0x80, $0x38;
	[tilespmem:$0x1C680] =	vst v63  }
0x5b: {  	_ =	swait.ge [sflag:s25], $0x80  }
0x5c: {  	[sflag:s25] =	ssyncset.done $0x0  }
0x5d: {  	s20 =	rddreg [dreg:$0xd];
	[sflag:s25] =	ssyncadd.s32 $0xFFFFFF80  }
0x5e: {  	[spmem:s20] =	stream.linear.scatter [tilespmem:s23], [sflag:$0x3], $0x80, $0x38;
	[tilespmem:$0x1C680] =	vst v63  }
0x5f: {  	_ =	swait.ge [sflag:s25], $0x80  }
0x60: {  	[sflag:s25] =	ssyncset.done $0x0  }
0x61: {  	[sflag:s25] =	ssyncadd.s32 $0xFFFFFF80  }
0x62: {  	[bflag:$0x0] =	sbarrier.arrive $0xFFFF  }
0x63: {  	s15 =	simm.s32 $0x0;
	s16 =	rddreg [dreg:$0xe]  }
0x64: {  	[tilespmem:s26], [sflag:$0x3] =	stream.linear.gather [hbm4b:s16+s15], $0x100, $0x38;
	[tilespmem:$0x1C680] =	vst v63  }
0x65: {  	_ =	swait.ge [sflag:s25], $0x100  }
0x66: {  	[sflag:s25] =	ssyncset.done $0x0  }
0x67: {  	s21 =	rddreg [dreg:$0xf];
	[sflag:s25] =	ssyncadd.s32 $0xFFFFFF00  }
0x68: {  	[tilespmem:s28], [sflag:$0x3] =	stream.linear.gather [hbm4b:s21+s15], $0x80, $0x38;
	[tilespmem:$0x1C680] =	vst v63  }
.Ltmp3:
0x69: {  	_ = 	snop;
	(pc) =	sbr.rel .LBB2_4-.Ltmp3, $4  }
0x6a: {  	_ =	swait.ge [sflag:s25], $0x80  }
0x6b: {  	[sflag:s25] =	ssyncset.done $0x0  }
0x6c: {  	[sflag:s25] =	ssyncadd.s32 $0xFFFFFF80  }
0x6d: {  	[tilespmem:s23], [sflag:$0x1] =	stream.indirect.gather [hbm4b:s0+s29], $0x80, s26, s29, $0xb8;
	[tilespmem:$0x1C680] =	vst v63  }
.LBB2_13:
0x6e: {  	s15 =	sadd.s32 $0x1, s15  }
0x6f: {  	p0 =	sne.s32 s15, $0x28  }
.Ltmp4:
0x70: {  	_ = 	snop;
	(pc) =	sbr.rel @!p0 .LBB2_14-.Ltmp4, $1  }
0x71: {  	_ =	sdelay $0x3  }
.LBB2_4:
0x72: {  	s16 =	sshll.u32 s15, $0x6  }
0x73: {  	s16 =	sor.u32 s8, s16  }
0x74: {  	s17 =	sor.u32 $0x20, s16  }
0x75: {  	p0 =	sgt.u32 s17, $0x9C3  }
0x76: {  	s18 =	sshll.u32 @!p0 s17, $0x5  }
0x77: {  	s19 =	simm.s32 @!p0 $0x0;
	s20 =	simm.s32 @!p0 $0x14380;
	s18 =	sadd.s32 @!p0 s7, s18  }
0x78: {  	[tilespmem:s20], [sflag:$0x4] =	stream.linear.gather @!p0 [hbm4b:s18+s19], $0x100, $0x38;
	[tilespmem:$0x1C680] =	vst v63  }
0x79: {  	s18 =	simm.s32 @!p0 $0x4  }
0x7a: {  	_ =	swait.ge @!p0 [sflag:s18], $0x100  }
0x7b: {  	p1 =	sgt.u32 s16, $0x9C3;
	s17 =	sshll.u32 @!p0 s17, $0x4;
	[sflag:s18] =	ssyncset.done @!p0 $0x0  }
0x7c: {  	s21 =	simm.s32 @!p0 $0x14580;
	s17 =	sadd.s32 @!p0 s1, s17;
	[sflag:s18] =	ssyncadd.s32 @!p0 $0xFFFFFF00  }
0x7d: {  	[tilespmem:s21], [sflag:$0x4] =	stream.linear.gather @!p0 [hbm4b:s17+s19], $0x80, $0x38;
	[tilespmem:$0x1C680] =	vst v63  }
.Ltmp5:
0x7e: {  	_ = 	snop;
	(pc) =	sbr.rel @p1 .LBB2_13-.Ltmp5, $4  }
0x7f: {  	_ =	swait.ge @!p0 [sflag:s18], $0x80  }
0x80: {  	[sflag:s18] =	ssyncset.done @!p0 $0x0  }
0x81: {  	s17 =	simm.s32 @!p0 $0x80;
	[sflag:s18] =	ssyncadd.s32 @!p0 $0xFFFFFF80;
	s18 =	simm.s32 @!p0 $0x18680  }
0x82: {  	[tilespmem:s18], [sflag:$0x2] =	stream.indirect.gather @!p0 [hbm4b:s0+s17], $0x80, s20, s17, $0xb8;
	[tilespmem:$0x1C680] =	vst v63  }
0x83: {  	_ =	swait.ge [sflag:s30], $0x4000  }
0x84: {  	[sflag:s30] =	ssyncset.done $0x0  }
0x85: {  	s18 =	simm.s32 $0x146C0;
	[sflag:s30] =	ssyncadd.s32 $0xFFFFC000  }
0x86: {  	v5 =	vld [tilespmem:s18+$0x30]  }
0x87: {  	v8 =	vld [tilespmem:s18+$0x10]  }
0x88: {  	s17 =	simm.s32 $0x0;
	v6 =	vld [tilespmem:s18+$0xFFFFFFC0]  }
0x89: {  	v2 =	vld.msk [tilespmem:s17+$0x14480 ss:$0x0], $0xffff  }
0x8a: {  	v10 =	vld [tilespmem:s18+$0xFFFFFFE0]  }
0x8b: {  	v1 =	vld [tilespmem:s18+$0xFFFFFFF0]  }
0x8c: {  	v3 =	vld [tilespmem:s18+$0x20]  }
0x8d: {  	v4 =	vld [tilespmem:s18+$0xFFFFFFD0]  }
0x8e: {  	v9 =	vmul.f32 v5, v2;
	v5 =	vld [tilespmem:s18+$0x0]  }
0x8f: {  	v7 =	vmul.f32 v2, v6  }
0x90: {  	s19 =	simm.s32 $0x4;
	s20 =	simm.s32 $0x146C0;
	s17 =	sadd.s32 $0x40, s16;
	v6 =	vmul.f32 v10, v2;
	v8 =	vmul.f32 v8, v2  }
.LBB2_6:
0x91: {  	p1 =	sne.s32 s19, $0x1FC  }
0x92: {  	v4 =	vmul.f32 v4, v2;
	v3 =	vmul.f32 v3, v2;
	[tilespmem:s18+$0x30] =	vst v9;
	s20 =	sadd.s32 $0x80, s20;
	s21 =	smov.u32 s19;
	s19 =	sadd.s32 $0x4, s19  }
0x93: {  	[tilespmem:s18+$0xFFFFFFC0] =	vst v7;
	v7 =	vmul.f32 v1, v2;
	v2 =	vmul.f32 v5, v2  }
0x94: {  	[tilespmem:s18+$0x10] =	vst v8  }
0x95: {  	[tilespmem:s18+$0xFFFFFFE0] =	vst v6  }
0x96: {  	v1 =	vld [tilespmem:s20+$0xFFFFFFF0];
	[tilespmem:s18+$0xFFFFFFF0] =	vst v7  }
0x97: {  	v6 =	vld [tilespmem:s20+$0x30];
	[tilespmem:s18+$0x0] =	vst v2  }
0x98: {  	v8 =	vld [tilespmem:s20+$0x10];
	[tilespmem:s18+$0x20] =	vst v3  }
0x99: {  	s21 =	sshra.s32 s21, $0x2;
	v7 =	vld [tilespmem:s20+$0xFFFFFFC0];
	[tilespmem:s18+$0xFFFFFFD0] =	vst v4;
	s18 =	smov.u32 s20  }
0x9a: {  	v2 =	vld.msk [tilespmem:s21+$0x14480 ss:$0x0], $0xffff  }
0x9b: {  	v10 =	vld [tilespmem:s20+$0xFFFFFFE0]  }
0x9c: {  	v3 =	vld [tilespmem:s20+$0x20]  }
.Ltmp6:
0x9d: {  	v4 =	vld [tilespmem:s20+$0xFFFFFFD0];
	(pc) =	sbr.rel @p1 .LBB2_6-.Ltmp6, $3  }
0x9e: {  	v5 =	vld [tilespmem:s20+$0x0];
	_ =	sdelay $0x1  }
0x9f: {  	v7 =	vmul.f32 v2, v7;
	v9 =	vmul.f32 v6, v2  }
0xa0: {  	v8 =	vmul.f32 v8, v2;
	v6 =	vmul.f32 v10, v2  }
0xa1: {  	[tilespmem:s18+$0x30] =	vst v9  }
0xa2: {  	[tilespmem:s18+$0xFFFFFFC0] =	vst v7  }
0xa3: {  	v1 =	vmul.f32 v1, v2;
	[tilespmem:s18+$0x10] =	vst v8  }
0xa4: {  	v3 =	vmul.f32 v3, v2;
	[tilespmem:s18+$0xFFFFFFE0] =	vst v6  }
0xa5: {  	v5 =	vmul.f32 v5, v2;
	[tilespmem:s18+$0xFFFFFFF0] =	vst v1  }
0xa6: {  	v1 =	vmul.f32 v4, v2;
	[tilespmem:s18+$0x20] =	vst v3  }
0xa7: {  	[tilespmem:s18+$0x0] =	vst v5  }
0xa8: {  	[tilespmem:s18+$0xFFFFFFD0] =	vst v1  }
0xa9: {  	[spmem:s3] =	stream.indirect.scatter.add.f32 [tilespmem:s23], [sflag:$0x4], $0x80, s31, s29, $0xb8;
	[tilespmem:$0x1C680] =	vst v63  }
0xaa: {  	_ =	swait.ge [sflag:s2], $0x4000  }
0xab: {  	p1 =	sgt.u32 s16, $0x983;
	[sflag:s2] =	ssyncset.done $0x0  }
.Ltmp7:
0xac: {  	[sflag:s2] =	ssyncadd.s32 $0xFFFFC000;
	(pc) =	sbr.rel @p1 .LBB2_9-.Ltmp7, $4  }
0xad: {  	[spmem:s5] =	stream.indirect.scatter.add.f32 [tilespmem:s28], [sflag:$0x4], $0x1, s31, s29, $0xb8;
	[tilespmem:$0x1C680] =	vst v63  }
0xae: {  	_ =	swait.ge [sflag:s2], $0x80  }
0xaf: {  	[sflag:s2] =	ssyncset.done $0x0  }
0xb0: {  	[sflag:s2] =	ssyncadd.s32 $0xFFFFFF80  }
0xb1: {  	s16 =	sshll.u32 s17, $0x5  }
0xb2: {  	s16 =	sadd.s32 s7, s16  }
0xb3: {  	[tilespmem:s26], [sflag:$0x4] =	stream.linear.gather [hbm4b:s16+s6], $0x100, $0x38;
	[tilespmem:$0x1C680] =	vst v63  }
0xb4: {  	_ =	swait.ge [sflag:s2], $0x100  }
0xb5: {  	s21 =	sshll.u32 s17, $0x4;
	[sflag:s2] =	ssyncset.done $0x0  }
0xb6: {  	s16 =	sadd.s32 s1, s21;
	[sflag:s2] =	ssyncadd.s32 $0xFFFFFF00  }
0xb7: {  	[tilespmem:s28], [sflag:$0x4] =	stream.linear.gather [hbm4b:s16+s6], $0x80, $0x38;
	[tilespmem:$0x1C680] =	vst v63  }
.Ltmp8:
0xb8: {  	_ = 	snop;
	(pc) =	sbr.rel .LBB2_10-.Ltmp8, $4  }
0xb9: {  	_ =	swait.ge [sflag:s2], $0x80  }
0xba: {  	[sflag:s2] =	ssyncset.done $0x0  }
0xbb: {  	[sflag:s2] =	ssyncadd.s32 $0xFFFFFF80  }
0xbc: {  	[tilespmem:s23], [sflag:$0x1] =	stream.indirect.gather [hbm4b:s0+s29], $0x80, s26, s29, $0xb8;
	[tilespmem:$0x1C680] =	vst v63  }
.LBB2_9:
.Ltmp9:
0xbd: {  	(pc) =	sbr.rel @p0 .LBB2_13-.Ltmp9, $1  }
0xbe: {  	_ =	sdelay $0x3  }
.LBB2_10:
0xbf: {  	_ =	swait.ge [sflag:s4], $0x4000  }
0xc0: {  	[sflag:s4] =	ssyncset.done $0x0  }
0xc1: {  	s16 =	simm.s32 $0x186C0;
	[sflag:s4] =	ssyncadd.s32 $0xFFFFC000  }
0xc2: {  	v5 =	vld [tilespmem:s16+$0x30]  }
0xc3: {  	v8 =	vld [tilespmem:s16+$0x10]  }
0xc4: {  	s17 =	simm.s32 $0x0;
	v6 =	vld [tilespmem:s16+$0xFFFFFFC0]  }
0xc5: {  	v2 =	vld.msk [tilespmem:s17+$0x14580 ss:$0x0], $0xffff  }
0xc6: {  	v10 =	vld [tilespmem:s16+$0xFFFFFFE0]  }
0xc7: {  	v1 =	vld [tilespmem:s16+$0xFFFFFFF0]  }
0xc8: {  	v3 =	vld [tilespmem:s16+$0x20]  }
0xc9: {  	v4 =	vld [tilespmem:s16+$0xFFFFFFD0]  }
0xca: {  	v9 =	vmul.f32 v5, v2;
	v5 =	vld [tilespmem:s16+$0x0]  }
0xcb: {  	v7 =	vmul.f32 v2, v6  }
0xcc: {  	s18 =	simm.s32 $0x186C0;
	s17 =	simm.s32 $0x4;
	v6 =	vmul.f32 v10, v2;
	v8 =	vmul.f32 v8, v2  }
.LBB2_11:
0xcd: {  	p0 =	sne.s32 s17, $0x1FC  }
0xce: {  	v4 =	vmul.f32 v4, v2;
	v3 =	vmul.f32 v3, v2;
	[tilespmem:s16+$0x30] =	vst v9;
	s18 =	sadd.s32 $0x80, s18;
	s19 =	smov.u32 s17;
	s17 =	sadd.s32 $0x4, s17  }
0xcf: {  	[tilespmem:s16+$0xFFFFFFC0] =	vst v7;
	v7 =	vmul.f32 v1, v2;
	v2 =	vmul.f32 v5, v2  }
0xd0: {  	[tilespmem:s16+$0x10] =	vst v8  }
0xd1: {  	[tilespmem:s16+$0xFFFFFFE0] =	vst v6  }
0xd2: {  	v1 =	vld [tilespmem:s18+$0xFFFFFFF0];
	[tilespmem:s16+$0xFFFFFFF0] =	vst v7  }
0xd3: {  	v6 =	vld [tilespmem:s18+$0x30];
	[tilespmem:s16+$0x0] =	vst v2  }
0xd4: {  	v8 =	vld [tilespmem:s18+$0x10];
	[tilespmem:s16+$0x20] =	vst v3  }
0xd5: {  	s19 =	sshra.s32 s19, $0x2;
	v7 =	vld [tilespmem:s18+$0xFFFFFFC0];
	[tilespmem:s16+$0xFFFFFFD0] =	vst v4;
	s16 =	smov.u32 s18  }
0xd6: {  	v2 =	vld.msk [tilespmem:s19+$0x14580 ss:$0x0], $0xffff  }
0xd7: {  	v10 =	vld [tilespmem:s18+$0xFFFFFFE0]  }
0xd8: {  	v3 =	vld [tilespmem:s18+$0x20]  }
.Ltmp10:
0xd9: {  	v4 =	vld [tilespmem:s18+$0xFFFFFFD0];
	(pc) =	sbr.rel @p0 .LBB2_11-.Ltmp10, $3  }
0xda: {  	v5 =	vld [tilespmem:s18+$0x0];
	_ =	sdelay $0x1  }
0xdb: {  	v7 =	vmul.f32 v2, v7;
	v9 =	vmul.f32 v6, v2  }
0xdc: {  	v8 =	vmul.f32 v8, v2;
	v6 =	vmul.f32 v10, v2  }
0xdd: {  	[tilespmem:s16+$0x30] =	vst v9  }
0xde: {  	[tilespmem:s16+$0xFFFFFFC0] =	vst v7  }
0xdf: {  	v1 =	vmul.f32 v1, v2;
	[tilespmem:s16+$0x10] =	vst v8  }
0xe0: {  	v3 =	vmul.f32 v3, v2;
	[tilespmem:s16+$0xFFFFFFE0] =	vst v6  }
0xe1: {  	v5 =	vmul.f32 v5, v2;
	[tilespmem:s16+$0xFFFFFFF0] =	vst v1  }
0xe2: {  	v1 =	vmul.f32 v4, v2;
	[tilespmem:s16+$0x20] =	vst v3  }
0xe3: {  	[tilespmem:s16+$0x0] =	vst v5  }
0xe4: {  	[tilespmem:s16+$0xFFFFFFD0] =	vst v1  }
0xe5: {  	[spmem:s3] =	stream.indirect.scatter.add.f32 [tilespmem:s11], [sflag:$0x4], $0x80, s10, s29, $0xb8;
	[tilespmem:$0x1C680] =	vst v63  }
0xe6: {  	_ =	swait.ge [sflag:s2], $0x4000  }
0xe7: {  	[sflag:s2] =	ssyncset.done $0x0  }
.Ltmp11:
0xe8: {  	[sflag:s2] =	ssyncadd.s32 $0xFFFFC000;
	(pc) =	sbr.rel .LBB2_13-.Ltmp11, $4  }
0xe9: {  	[spmem:s5] =	stream.indirect.scatter.add.f32 [tilespmem:s12], [sflag:$0x3], $0x1, s10, s29, $0xb8;
	[tilespmem:$0x1C680] =	vst v63  }
0xea: {  	_ =	swait.ge [sflag:s25], $0x80  }
0xeb: {  	[sflag:s25] =	ssyncset.done $0x0  }
0xec: {  	[sflag:s25] =	ssyncadd.s32 $0xFFFFFF80  }
.LBB2_15:
0xed: {  	_ =	sfence.sel $0x180000  }
0xee: {  	[bflag:$0x0] =	sbarrier.arrive $0xFFFF  }
0xef: {  	_ =	strace $0x90000047  }
0xf0: {  	s0 =	stileid.u32;
	[bflag:$0x2] =	sbarrier.arrive $0xFFFF  }
0xf1: {  	p0 =	sne.s32 s0, $0x0;
	s0 =	rddreg [dreg:$0x5]  }
0xf2: {  	s0 =	sadd.s32 @!p0 $0x100000, s0  }
0xf3: {  	[sflag:s0] =	ssyncadd.tile.s32 @!p0 $0x1;
	_ =	shalt  }
.Lfunc_end2:
_tile_overlayer_lowered:
.L_overlay_start_2:
0xf4: {  	(tag) =	ssettag $0x2  }
0xf5: {  	s0 =	rddreg [dreg:$0x0];
	s2 =	stileid.u32  }
0xf6: {  	s1 =	rddreg [dreg:$0x1];
	p0 =	sne.s32 s2, $0x0  }
0xf7: {  	s3 =	rddreg [dreg:$0x2];
	[bflag:$0x3] =	sbarrier.arrive $0xFFFF;
	s2 =	simm.s32 @!p0 $0x1C03  }
0xf8: {  	[timem:s3], [sflag:s2] =	dma.local @!p0 [hbm:s0], s1  }
0xf9: {  	s0 =	simm.s32 @!p0 $0x3  }
0xfa: {  	_ =	swait.ge @!p0 [sflag:s0], s1  }
0xfb: {  	s1 =	ssub.s32 @!p0 $0x0, s1;
	[sflag:s0] =	ssyncset.done @!p0 $0x0  }
0xfc: {  	[sflag:s0] =	ssyncadd.s32 @!p0 s1  }
0xfd: {  	[bflag:$0x3] =	sbarrier.arrive $0xFFFF  }
0xfe: {  	_ =	shalt  }

// kernel: kernel.8.cloned.1.call-start
scs
__scs_entry_jumppad:
0x0: {  	(pc) =	sbr.rel $0x88, $3  }
0x1: {  	(tag) =	ssettag $0x0;
	lr =	simm.s32 $0x1  }
0x2: {  	[smem:$0x3F96] =	sst lr;
	_ =	strace $0xD0000000  }
0x3: {  	_ = 	snop  }
0x4: {  	_ = 	snop  }
0x5: {  	_ = 	snop  }
0x6: {  	_ = 	snop  }
0x7: {  	_ = 	snop  }
__scs_overlays_trampoline_lowered:
0x8: {  	[smem:$0x3FA5] =	sst s0  }
0x9: {  	[smem:$0x3FA6] =	sst s1  }
0xa: {  	[smem:$0x3FA7] =	sst s2  }
0xb: {  	[smem:$0x3FA8] =	sst s3  }
0xc: {  	[smem:$0x3FA9] =	sst s4  }
0xd: {  	[smem:$0x3FAA] =	sst s5  }
0xe: {  	[smem:$0x3FAB] =	sst s6  }
0xf: {  	[smem:$0x3FAC] =	sst s7  }
0x10: {  	[smem:$0x3FAD] =	sst s8  }
0x11: {  	[smem:$0x3FAE] =	sst s9;
	s0 =	simm.s32 @!p0 $0x0  }
0x12: {  	s1 =	sld [smem:$0x3F94];
	s0 =	simm.s32 @p0 $0x1  }
0x13: {  	[smem:$0x3FAF] =	sst s0;
	s0 =	simm.s32 @!p1 $0x0  }
0x14: {  	s2 =	sld [smem:$0x3F93];
	s0 =	simm.s32 @p1 $0x1  }
0x15: {  	[smem:$0x3FB0] =	sst s0;
	s0 =	simm.s32 @!p2 $0x0  }
0x16: {  	s3 =	sld [smem:$0x3FDB];
	s0 =	simm.s32 @p2 $0x1  }
0x17: {  	s4 =	simm.s32 $0x1BF5;
	[smem:$0x3FB2] =	sst s0  }
0x18: {  	s0 =	sld [smem:$0x3F95];
	_ =	swait.ge [sflag:s4], $0x0  }
0x19: {  	s7 =	sld [smem:$0x3F96]  }
0x1a: {  	s8 =	sadd.s32 $0xFFFFE003, lr  }
0x1b: {  	s9 =	sadd.s32 $0xFFFFFEF7, lr;
	s5 =	simm.s32 $0xFFFFFFFF;
	p2 =	slt.u32 s8, $0xFFFFF086  }
0x1c: {  	p1 =	slt.u32 s9, $0xF7A;
	s5 =	simm.s32 @!p2 $0x0  }
0x1d: {  	s5 =	simm.s32 @p1 $0x1;
	p0 =	seq.s32 s7, s2  }
0x1e: {  	s7 =	smul.u32 @!p0 $0xF7A, s2;
	p2 =	seq.s32 @!p0 s5, $0x0  }
0x1f: {  	s9 =	smul.u32 $0xF7A, s1;
	s8 =	simm.s32 @!p0 $0x1BF5;
	p2 =	por !p2, p0  }
0x20: {  	[sflag:s8] =	ssyncset.s32 @!p0 $0xFFFFF086;
	s6 =	sadd.s32 @!p0 s3, s7;
	s7 =	simm.s32 @!p0 $0x108  }
0x21: {  	s3 =	sadd.s32 s3, s9;
	s6 =	sadd.s32 @!p0 $0x88, s6;
	s7 =	simm.s32 @p2 $0x1082  }
0x22: {  	[simem:s7], [sflag:s8] =	dma.local @!p0 [hbm:s6], $0xF7A  }
0x23: {  	s9 =	sor.u32 $0xD0000000, s2;
	s6 =	simm.s32 $0x108;
	_ =	swait.ge @!p0 [sflag:s8], $0x0  }
0x24: {  	s3 =	sadd.s32 $0x88, s3;
	s6 =	simm.s32 @!p1 $0x1082;
	[sflag:s4] =	ssyncset.s32 $0xFFFFF086  }
0x25: {  	[simem:s6], [sflag:s4] =	dma.local [hbm:s3], $0xF7A  }
0x26: {  	[smem:$0x3F96] =	sst s1;
	(tag) =	ssettag s2;
	_ =	strace s9  }
0x27: {  	s1 =	sld [smem:$0x3FA6]  }
0x28: {  	s2 =	sld [smem:$0x3FA7]  }
0x29: {  	s4 =	sld [smem:$0x3FA9]  }
0x2a: {  	p0 =	seq.s32 s5, $0x0;
	s5 =	sld [smem:$0x3FAA]  }
0x2b: {  	s6 =	sld [smem:$0x3FAB]  }
0x2c: {  	s7 =	sld [smem:$0x3FAC]  }
0x2d: {  	s3 =	simm.s32 $0x108;
	s8 =	sld [smem:$0x3FAD]  }
0x2e: {  	s3 =	simm.s32 @!p0 $0x1082;
	s9 =	sld [smem:$0x3FAE]  }
0x2f: {  	lr =	sadd.s32 s0, s3;
	s0 =	sld [smem:$0x3FA5]  }
0x30: {  	s3 =	sld [smem:$0x3FA8]  }
0x31: {  	[smem:$0x3FB1] =	sst s10  }
0x32: {  	s10 =	sld [smem:$0x3FAF];
	_ =	sdelay $0x3  }
0x33: {  	p0 =	seq.s32 s10, $0x1;
	s10 =	sld [smem:$0x3FB1];
	_ =	sdelay $0x3  }
0x34: {  	[smem:$0x3FB1] =	sst s10  }
0x35: {  	s10 =	sld [smem:$0x3FB0];
	_ =	sdelay $0x3  }
0x36: {  	p1 =	seq.s32 s10, $0x1;
	s10 =	sld [smem:$0x3FB1];
	_ =	sdelay $0x3  }
0x37: {  	[smem:$0x3FB1] =	sst s10  }
0x38: {  	s10 =	sld [smem:$0x3FB2]  }
0x39: {  	_ = 	snop;
	(pc) =	sbr.ind lr, $3  }
0x3a: {  	_ = 	snop  }
0x3b: {  	_ = 	snop  }
0x3c: {  	p2 =	seq.s32 s10, $0x1;
	s10 =	sld [smem:$0x3FB1]  }
0x3d: {  	_ =	shalt  }
0x3e: {  	_ =	shalt  }
0x3f: {  	_ =	shalt  }
0x40: {  	_ =	shalt  }
0x41: {  	_ =	shalt  }
0x42: {  	_ =	shalt  }
0x43: {  	_ =	shalt  }
0x44: {  	_ =	shalt  }
0x45: {  	_ =	shalt  }
0x46: {  	_ =	shalt  }
0x47: {  	_ =	shalt  }
0x48: {  	_ =	shalt  }
0x49: {  	_ =	shalt  }
0x4a: {  	_ =	shalt  }
0x4b: {  	_ =	shalt  }
0x4c: {  	_ =	shalt  }
0x4d: {  	_ =	shalt  }
0x4e: {  	_ =	shalt  }
0x4f: {  	_ =	shalt  }
0x50: {  	_ =	shalt  }
0x51: {  	_ =	shalt  }
0x52: {  	_ =	shalt  }
0x53: {  	_ =	shalt  }
0x54: {  	_ =	shalt  }
0x55: {  	_ =	shalt  }
0x56: {  	_ =	shalt  }
0x57: {  	_ =	shalt  }
0x58: {  	_ =	shalt  }
0x59: {  	_ =	shalt  }
0x5a: {  	_ =	shalt  }
0x5b: {  	_ =	shalt  }
0x5c: {  	_ =	shalt  }
0x5d: {  	_ =	shalt  }
0x5e: {  	_ =	shalt  }
0x5f: {  	_ =	shalt  }
0x60: {  	_ =	shalt  }
0x61: {  	_ =	shalt  }
0x62: {  	_ =	shalt  }
0x63: {  	_ =	shalt  }
0x64: {  	_ =	shalt  }
0x65: {  	_ =	shalt  }
0x66: {  	_ =	shalt  }
0x67: {  	_ =	shalt  }
0x68: {  	_ =	shalt  }
0x69: {  	_ =	shalt  }
0x6a: {  	_ =	shalt  }
0x6b: {  	_ =	shalt  }
0x6c: {  	_ =	shalt  }
0x6d: {  	_ =	shalt  }
0x6e: {  	_ =	shalt  }
0x6f: {  	_ =	shalt  }
0x70: {  	_ =	shalt  }
0x71: {  	_ =	shalt  }
0x72: {  	_ =	shalt  }
0x73: {  	_ =	shalt  }
0x74: {  	_ =	shalt  }
0x75: {  	_ =	shalt  }
0x76: {  	_ =	shalt  }
0x77: {  	_ =	shalt  }
0x78: {  	_ =	shalt  }
0x79: {  	_ =	shalt  }
0x7a: {  	_ =	shalt  }
0x7b: {  	_ =	shalt  }
0x7c: {  	_ =	shalt  }
0x7d: {  	_ =	shalt  }
0x7e: {  	_ =	shalt  }
0x7f: {  	_ =	shalt  }
0x80: {  	_ =	shalt  }
0x81: {  	_ =	shalt  }
0x82: {  	_ =	shalt  }
0x83: {  	_ =	shalt  }
0x84: {  	_ =	shalt  }
0x85: {  	_ =	shalt  }
0x86: {  	_ =	shalt  }
0x87: {  	_ =	shalt  }
.Lfunc_end0:
.L_simem_size_0:
called_computation.1_lowered:
.L_overlay_start_0:
0x88: {  	s2 =	sld [smem:$0x3FD9]  }
0x89: {  	s3 =	sld [smem:$0x3FFE];
	_ =	sdelay $0x1  }
0x8a: {  	s1 =	srdreg.scid  }
0x8b: {  	s0 =	sand.u32 $0x1, s1  }
0x8c: {  	s17 =	sshll.u32 s0, $0xA;
	s2 =	sadd.s32 s3, s2  }
0x8d: {  	s2 =	sadd.s32 s2, s17  }
0x8e: {  	[smem:$0x3FBD] =	sst s2  }
0x8f: {  	_ = 	snop  }
0x90: {  	s2 =	sld [smem:$0x3FD0];
	(tm) =	ssettm $0x1  }
0x91: {  	s18 =	sld [smem:$0x3FFB];
	_ =	sdelay $0x3  }
0x92: {  	_ =	strace s18  }
0x93: {  	s3 =	sld [smem:$0x3FFC];
	_ =	sdelay $0x3  }
0x94: {  	_ =	strace s3  }
0x95: {  	s3 =	sld [smem:$0x3FFD];
	_ =	sdelay $0x3  }
0x96: {  	_ =	strace s3  }
0x97: {  	_ =	strace $0x8FFFFFFF  }
0x98: {  	s19 =	sld [smem:$0x3FDB];
	_ =	sdelay $0x1  }
0x99: {  	s4 =	simm.s32 $_scs_section_size  }
0x9a: {  	s5 =	simm.s32 $_size__tile_overlayer_lowered;
	s6 =	simm.s32 $_tile_overlayer_lowered  }
0x9b: {  	s22 =	simm.s32 $0x1BFF;
	s21 =	sshll.u32 s6, $0x1;
	s3 =	sadd.s32 s4, s19  }
0x9c: {  	s7 =	simm.s32 $0x0;
	s20 =	sshll.u32 s5, $0x1;
	s5 =	sadd.s32 s21, s3  }
0x9d: {  	[timem:s7], [sflag:s22] =	dma.local [hbm:s5], s20  }
0x9e: {  	_ =	swait.ge [sflag:s22], s20  }
0x9f: {  	s4 =	ssub.s32 $0x0, s20;
	[sflag:s22] =	ssyncset.done $0x0  }
0xa0: {  	[sflag:s22] =	ssyncadd.s32 s4;
	_ =	sdelay $0x1  }
0xa1: {  	s23 =	simm.s32 $0x1B8B  }
0xa2: {  	_ =	swait.ge [sflag:s23], $0x1  }
0xa3: {  	[sflag:s23] =	ssyncset.done $0x0  }
0xa4: {  	s25 =	simm.s32 $0x1B8E;
	s24 =	sld [smem:$0x3FFE];
	[sflag:s23] =	ssyncadd.s32 $0xFFFFFFFF  }
0xa5: {  	s26 =	simm.s32 $execute0_lowered;
	[smem:$0x3FD2] =	sst s25  }
0xa6: {  	s5 =	sshll.u32 s26, $0x1;
	_ =	strace $0x80000049;
	[dreg:$0x1] =	wrdreg $0xFFFFFFFF  }
0xa7: {  	s28 =	simm.s32 $_size_execute0_lowered;
	s3 =	sadd.s32 s3, s5;
	[dreg:$0x0] =	wrdreg $0x0  }
0xa8: {  	s5 =	sshll.u32 s28, $0x1;
	[dreg:$0x2] =	wrdreg s3  }
0xa9: {  	[dreg:$0x3] =	wrdreg s5  }
0xaa: {  	[dreg:$0x4] =	wrdreg $0xC0  }
0xab: {  	_ =	task [dreg:s7], $0x5FFFF  }
0xac: {  	[dreg:$0x1] =	wrdreg $0xFFFFFFFF  }
0xad: {  	[dreg:$0x0] =	wrdreg $0x60  }
0xae: {  	[dreg:$0x2] =	wrdreg s24  }
0xaf: {  	[dreg:$0x3] =	wrdreg s2  }
0xb0: {  	[dreg:$0x4] =	wrdreg $0x9  }
0xb1: {  	_ =	task.clear_ibuf [dreg:s7], $0x5FFFF;
	_ =	strace $0x90000049  }
0xb2: {  	s29 =	simm.s32 $0x9;
	_ =	strace $0x8000004B  }
0xb3: {  	_ =	swait.ge [sflag:s29], $0x1  }
0xb4: {  	[sflag:s29] =	ssyncadd.s32 $0xFFFFFFFF  }
0xb5: {  	_ =	strace $0x9000004B  }
0xb6: {  	_ =	sfence  }
0xb7: {  	s30 =	sld [smem:$0x0];
	_ =	sdelay $0x2  }
0xb8: {  	s31 =	sshll.u32 s1, $0xD;
	s1 =	sshrl.u32 s1, $0x2  }
0xb9: {  	s3 =	sand.u32 $0x4000, s31;
	s1 =	sadd.s32 s1, s30  }
0xba: {  	s0 =	sor.u32 s3, s0;
	s1 =	sshll.u32 s1, $0x11  }
0xbb: {  	s0 =	sor.u32 s1, s0  }
0xbc: {  	s0 =	sadd.s32 $0x8F2B, s0  }
0xbd: {  	[sflag:s0] =	ssyncadd.remote.s32 $0x1  }
0xbe: {  	_ =	sfence.sel $0xFFFF  }
0xbf: {  	[dreg:$0x0] =	wrdreg $0xFFFFFFFF;
	(pc) =	sbr.abs _section_cstart, $3  }
0xc0: {  	[dreg:$0x1] =	wrdreg $0xFFFFFFFF  }
0xc1: {  	_ =	task.clear_ibuf [dreg:s7], $0x2FFFF;
	_ =	strace $0x9FFFFFFF  }
0xc2: {  	(tm) =	ssettm $0x7FFFFFFF  }
0xc3: {  	_ =	shalt  }
tec
execute0_lowered:
.L_overlay_start_1:
0x0: {  	(tag) =	ssettag $0x1  }
0x1: {  	s12 =	rddreg [dreg:$0x0]  }
0x2: {  	s1 =	rddreg [dreg:$0x1]  }
0x3: {  	s0 =	rddreg [dreg:$0x2];
	s2 =	simm.s32 $0x0  }
0x4: {  	s4 =	srdreg.scid;
	s5 =	stileid.u32;
	s14 =	simm.s32 $0x3  }
0x5: {  	s15 =	simm.s32 $0x80;
	s16 =	simm.s32 $0x4080;
	s17 =	simm.s32 $0x1  }
0x6: {  	s18 =	simm.s32 $0x8080;
	s19 =	simm.s32 $0xC080;
	[smem:$0x7FF] =	sst s2  }
.Ltmp0:
0x7: {  	s3 =	sadd.s32 $0x3D800, s12;
	s4 =	sand.u32 $0x1, s4;
	(pc) =	sbr.rel .LBB2_1-.Ltmp0, $4  }
0x8: {  	s6 =	sadd.s32 $0x16600, s12;
	s7 =	sadd.s32 $0xB5400, s12;
	s10 =	ssub.s32 $0x2, s4  }
0x9: {  	s8 =	sadd.s32 $0x64A00, s12;
	s9 =	sadd.s32 $0xB4A00, s12;
	s11 =	sshrl.u32 s10, $0x1  }
0xa: {  	_ =	strace $0x8000004A;
	s13 =	ssub.s32 s10, s11;
	s10 =	sshll.u32 s5, $0x1  }
0xb: {  	s11 =	sadd.s32 $0x8CA00, s12;
	s12 =	sadd.s32 $0xB4F00, s12;
	s13 =	smax.u32 s13, $0x1  }
.LBB2_7:
0xc: {  	s2 =	sadd.s32 $0x1, s2  }
0xd: {  	p0 =	sne.s32 s2, s13  }
.Ltmp1:
0xe: {  	_ = 	snop;
	(pc) =	sbr.rel @!p0 .LBB2_8-.Ltmp1, $1  }
0xf: {  	_ =	sdelay $0x3  }
.LBB2_1:
.Ltmp2:
0x10: {  	(pc) =	sbr.rel .LBB2_2-.Ltmp2, $2  }
0x11: {  	_ =	sdelay $0x2  }
0x12: {  	s20 =	simm.s32 $0x0  }
.LBB2_6:
0x13: {  	s20 =	sadd.s32 $0x1, s20  }
0x14: {  	p0 =	sne.s32 s20, $0x3  }
.Ltmp3:
0x15: {  	_ = 	snop;
	(pc) =	sbr.rel @!p0 .LBB2_7-.Ltmp3, $1  }
0x16: {  	_ =	sdelay $0x3  }
.LBB2_2:
0x17: {  	s21 =	sshll.u32 s20, $0x5  }
0x18: {  	s22 =	sor.u32 s10, s21  }
0x19: {  	p0 =	sgt.u32 s22, $0x4F  }
.Ltmp4:
0x1a: {  	_ = 	snop;
	(pc) =	sbr.rel @p0 .LBB2_6-.Ltmp4, $1  }
0x1b: {  	_ =	sdelay $0x3  }
0x1c: {  	s21 =	sor.u32 s4, s22  }
0x1d: {  	s24 =	sshll.u32 s21, $0x4  }
0x1e: {  	s28 =	simm.s32 $0x0;
	s23 =	sadd.s32 s7, s24  }
0x1f: {  	[tilespmem:s28], [sflag:$0x3] =	stream.linear.gather [hbm4b:s23+s28], $0x80, $0x38;
	[tilespmem:$0x14280] =	vst v63  }
0x20: {  	_ =	swait.ge [sflag:s14], $0x80  }
0x21: {  	[sflag:s14] =	ssyncset.done $0x0  }
0x22: {  	[sflag:s14] =	ssyncadd.s32 $0xFFFFFF80  }
0x23: {  	[tilespmem:s15], [sflag:$0x1] =	stream.indirect.gather [hbm4b:s3+s15], $0x80, s28, s15, $0xb8;
	[tilespmem:$0x14280] =	vst v63  }
0x24: {  	_ = 	snop  }
0x25: {  	[tilespmem:s16], [sflag:$0x1] =	stream.indirect.gather [hbm4b:s6+s15], $0x80, s28, s15, $0xb8;
	[tilespmem:$0x14280] =	vst v63  }
0x26: {  	_ =	swait.ge [sflag:s17], $0x4000  }
0x27: {  	[sflag:s17] =	ssyncset.done $0x0  }
0x28: {  	[sflag:s17] =	ssyncadd.s32 $0xFFFFC000  }
0x29: {  	_ =	swait.ge [sflag:s17], $0x4000  }
0x2a: {  	s23 =	sshll.u32 s21, $0xB;
	[sflag:s17] =	ssyncset.done $0x0  }
0x2b: {  	s25 =	sadd.s32 s8, s23;
	[sflag:s17] =	ssyncadd.s32 $0xFFFFC000  }
0x2c: {  	[tilespmem:s18], [sflag:$0x3] =	stream.linear.gather [hbm4b:s25+s28], $0x4000, $0x38;
	[tilespmem:$0x14280] =	vst v63  }
0x2d: {  	_ =	swait.ge [sflag:s14], $0x4000  }
0x2e: {  	[sflag:s14] =	ssyncset.done $0x0  }
0x2f: {  	s31 =	sadd.s32 s23, s11;
	[sflag:s14] =	ssyncadd.s32 $0xFFFFC000  }
0x30: {  	[tilespmem:s19], [sflag:$0x3] =	stream.linear.gather [hbm4b:s31+s28], $0x4000, $0x38;
	[tilespmem:$0x14280] =	vst v63  }
0x31: {  	_ =	swait.ge [sflag:s14], $0x4000  }
0x32: {  	[sflag:s14] =	ssyncset.done $0x0  }
0x33: {  	s26 =	sadd.s32 s9, s24;
	s25 =	simm.s32 $0x10080;
	[sflag:s14] =	ssyncadd.s32 $0xFFFFC000  }
0x34: {  	[tilespmem:s25], [sflag:$0x3] =	stream.linear.gather [hbm4b:s26+s28], $0x80, $0x38;
	[tilespmem:$0x14280] =	vst v63  }
0x35: {  	_ =	swait.ge [sflag:s14], $0x80  }
0x36: {  	[sflag:s14] =	ssyncset.done $0x0  }
0x37: {  	s24 =	sadd.s32 s24, s12;
	s26 =	simm.s32 $0x10180;
	[sflag:s14] =	ssyncadd.s32 $0xFFFFFF80  }
0x38: {  	[tilespmem:s26], [sflag:$0x3] =	stream.linear.gather [hbm4b:s24+s28], $0x80, $0x38;
	[tilespmem:$0x14280] =	vst v63  }
0x39: {  	_ =	swait.ge [sflag:s14], $0x80  }
0x3a: {  	[sflag:s14] =	ssyncset.done $0x0  }
0x3b: {  	s24 =	simm.s32 $0x0;
	[sflag:s14] =	ssyncadd.s32 $0xFFFFFF80  }
0x3c: {  	v0 =	vld [tilespmem:s24+$0x80]  }
0x3d: {  	v4 =	vld [tilespmem:s24+$0x4080]  }
0x3e: {  	v1 =	vld [tilespmem:s24+$0x90]  }
0x3f: {  	v5 =	vld [tilespmem:s24+$0x4090]  }
0x40: {  	v2 =	vld [tilespmem:s24+$0xA0]  }
0x41: {  	v6 =	vld [tilespmem:s24+$0x40A0]  }
0x42: {  	v3 =	vld [tilespmem:s24+$0xB0]  }
0x43: {  	v7 =	vld [tilespmem:s24+$0x40B0]  }
0x44: {  	v8 =	vld [tilespmem:s24+$0x8080]  }
0x45: {  	v9 =	vld [tilespmem:s24+$0xC080]  }
0x46: {  	v11 =	vld [tilespmem:s25+$0x0]  }
0x47: {  	s28 =	simm.s32 $0x200;
	v10 =	vld [tilespmem:s26+$0x0]  }
.LBB2_4:
0x48: {  	p0 =	sne.s32 s28, $0xFE00;
	v12 =	vld [tilespmem:s24+$0x8090]  }
0x49: {  	v13 =	vld [tilespmem:s24+$0xC090]  }
0x4a: {  	v14 =	vld [tilespmem:s24+$0x80A0]  }
0x4b: {  	v15 =	vld [tilespmem:s24+$0xC0A0];
	(v2sf) =	vpush v11, $0x0  }
0x4c: {  	v11 =	vld [tilespmem:s24+$0x80B0];
	(v2sf) =	vpush v10, $0x0  }
0x4d: {  	v10 =	vld [tilespmem:s24+$0xC0B0]  }
0x4e: {  	v16 =	vld [tilespmem:s24+$0x80C0]  }
0x4f: {  	v17 =	vld [tilespmem:s24+$0xC0C0]  }
0x50: {  	v18 =	vld [tilespmem:s24+$0x80D0]  }
0x51: {  	v19 =	vld [tilespmem:s24+$0xC0D0]  }
0x52: {  	v20 =	vld [tilespmem:s24+$0x80E0]  }
0x53: {  	v21 =	vld [tilespmem:s24+$0xC0E0]  }
0x54: {  	v22 =	vld [tilespmem:s24+$0x80F0]  }
0x55: {  	v23 =	vld [tilespmem:s24+$0xC0F0]  }
0x56: {  	v24 =	vld [tilespmem:s24+$0xC0]  }
0x57: {  	v8 =	vadd.f32 v9, v8;
	v9 =	vadd.f32 v13, v12;
	v12 =	vld [tilespmem:s24+$0x40C0]  }
0x58: {  	v13 =	vadd.f32 v15, v14;
	v10 =	vadd.f32 v10, v11;
	v11 =	vld [tilespmem:s24+$0x40D0]  }
0x59: {  	v14 =	vadd.f32 v17, v16;
	v15 =	vadd.f32 v19, v18;
	v16 =	vld [tilespmem:s24+$0x40E0]  }
0x5a: {  	v17 =	vadd.f32 v21, v20;
	v18 =	vadd.f32 v23, v22;
	v19 =	vld [tilespmem:s24+$0x40F0];
	s29 =	spop (v2sf)  }
0x5b: {  	v4 =	vadd.f32 v4, v8;
	v5 =	vadd.f32 v5, v9;
	v8 =	vld [tilespmem:s24+$0xD0];
	s30 =	spop (v2sf)  }
0x5c: {  	v6 =	vadd.f32 v6, v13;
	v7 =	vadd.f32 v7, v10;
	s29 =	sadd.f32 s30, s29;
	v9 =	vld [tilespmem:s24+$0xE0]  }
0x5d: {  	v10 =	vadd.f32 v12, v14;
	v11 =	vadd.f32 v11, v15;
	v12 =	vld [tilespmem:s24+$0xF0]  }
0x5e: {  	v13 =	vmul.f32 s29, v0;
	v1 =	vmul.f32 s29, v1;
	v14 =	vadd.f32 v16, v17  }
0x5f: {  	s30 =	sshra.s32 s28, $0x2;
	v2 =	vmul.f32 s29, v2;
	v3 =	vmul.f32 s29, v3;
	v15 =	vadd.f32 v19, v18  }
0x60: {  	v0 =	vld [tilespmem:s30+$0x80];
	v13 =	vadd.f32 v4, v13;
	v16 =	vadd.f32 v5, v1;
	v5 =	vmul.f32 s29, v24  }
0x61: {  	v6 =	vadd.f32 v6, v2;
	v3 =	vadd.f32 v7, v3;
	v2 =	vmul.f32 s29, v8;
	v4 =	vld [tilespmem:s30+$0x4080]  }
0x62: {  	v8 =	vmul.f32 s29, v9;
	v1 =	vld [tilespmem:s30+$0x90];
	[tilespmem:s24+$0x10280] =	vst v13;
	v7 =	vadd.f32 v10, v5;
	v9 =	vmul.f32 s29, v12  }
0x63: {  	v10 =	vadd.f32 v11, v2;
	v5 =	vld [tilespmem:s30+$0x4090];
	[tilespmem:s24+$0x10290] =	vst v16  }
0x64: {  	v11 =	vadd.f32 v14, v8;
	v2 =	vld [tilespmem:s30+$0xA0];
	[tilespmem:s24+$0x102A0] =	vst v6;
	v12 =	vadd.f32 v15, v9  }
0x65: {  	v6 =	vld [tilespmem:s30+$0x40A0];
	[tilespmem:s24+$0x102B0] =	vst v3  }
0x66: {  	v3 =	vld [tilespmem:s30+$0xB0];
	[tilespmem:s24+$0x102C0] =	vst v7  }
.Ltmp5:
0x67: {  	v7 =	vld [tilespmem:s30+$0x40B0];
	[tilespmem:s24+$0x102D0] =	vst v10;
	(pc) =	sbr.rel @p0 .LBB2_4-.Ltmp5, $4  }
0x68: {  	v8 =	vld [tilespmem:s30+$0x8080];
	[tilespmem:s24+$0x102E0] =	vst v11  }
0x69: {  	s25 =	sadd.s32 $0x1, s25;
	v9 =	vld [tilespmem:s30+$0xC080];
	[tilespmem:s24+$0x102F0] =	vst v12;
	s24 =	smov.u32 s30  }
0x6a: {  	s26 =	sadd.s32 $0x1, s26;
	v11 =	vld [tilespmem:s25+$0x0]  }
0x6b: {  	s28 =	sadd.s32 $0x200, s28;
	v10 =	vld [tilespmem:s26+$0x0]  }
0x6c: {  	_ =	sdelay $0x2  }
0x6d: {  	v12 =	vld [tilespmem:s24+$0x8090];
	(v2sf) =	vpush v11, $0x0  }
0x6e: {  	v41 =	vld [tilespmem:s24+$0xC090];
	(v2sf) =	vpush v10, $0x0  }
0x6f: {  	v42 =	vld [tilespmem:s24+$0x80A0]  }
0x70: {  	v13 =	vld [tilespmem:s24+$0xC0A0]  }
0x71: {  	v14 =	vld [tilespmem:s24+$0x80B0]  }
0x72: {  	v15 =	vld [tilespmem:s24+$0xC0B0]  }
0x73: {  	v16 =	vld [tilespmem:s24+$0x80C0]  }
0x74: {  	v17 =	vld [tilespmem:s24+$0xC0C0]  }
0x75: {  	v18 =	vld [tilespmem:s24+$0x80D0]  }
0x76: {  	v19 =	vld [tilespmem:s24+$0xC0D0]  }
0x77: {  	v20 =	vld [tilespmem:s24+$0x80E0]  }
0x78: {  	v21 =	vld [tilespmem:s24+$0xC0E0]  }
0x79: {  	v22 =	vld [tilespmem:s24+$0x80F0]  }
0x7a: {  	v23 =	vld [tilespmem:s24+$0xC0F0]  }
0x7b: {  	v24 =	vld [tilespmem:s24+$0xC0];
	v8 =	vadd.f32 v9, v8  }
0x7c: {  	v25 =	vld [tilespmem:s24+$0x40C0];
	s25 =	spop (v2sf)  }
0x7d: {  	v44 =	vld [tilespmem:s24+$0x40D0];
	v4 =	vadd.f32 v4, v8;
	s26 =	spop (v2sf)  }
0x7e: {  	v46 =	vld [tilespmem:s24+$0x40E0];
	v43 =	vadd.f32 v41, v12;
	v10 =	vadd.f32 v13, v42;
	s25 =	sadd.f32 s26, s25  }
0x7f: {  	v49 =	vld [tilespmem:s24+$0x40F0];
	v45 =	vadd.f32 v15, v14;
	v47 =	vadd.f32 v17, v16  }
0x80: {  	v51 =	vld [tilespmem:s24+$0xD0];
	v48 =	vadd.f32 v19, v18;
	v50 =	vadd.f32 v21, v20;
	v0 =	vmul.f32 s25, v0  }
0x81: {  	v53 =	vld [tilespmem:s24+$0xE0];
	v52 =	vadd.f32 v23, v22;
	v5 =	vadd.f32 v5, v43;
	v1 =	vmul.f32 s25, v1  }
0x82: {  	v54 =	vld [tilespmem:s24+$0xF0];
	v6 =	vadd.f32 v6, v10;
	v2 =	vmul.f32 s25, v2;
	v0 =	vadd.f32 v4, v0  }
0x83: {  	v55 =	vadd.f32 v7, v45;
	v3 =	vmul.f32 s25, v3;
	v1 =	vadd.f32 v5, v1  }
0x84: {  	v56 =	vadd.f32 v25, v47;
	v57 =	vmul.f32 s25, v24;
	v2 =	vadd.f32 v6, v2;
	[tilespmem:s24+$0x10280] =	vst v0  }
0x85: {  	v58 =	vadd.f32 v44, v48;
	v59 =	vmul.f32 s25, v51;
	v3 =	vadd.f32 v55, v3;
	[tilespmem:s24+$0x10290] =	vst v1  }
0x86: {  	v60 =	vadd.f32 v46, v50;
	v61 =	vmul.f32 s25, v53;
	v5 =	vadd.f32 v56, v57;
	[tilespmem:s24+$0x102A0] =	vst v2  }
0x87: {  	v62 =	vadd.f32 v49, v52;
	v63 =	vmul.f32 s25, v54;
	v0 =	vadd.f32 v58, v59;
	[tilespmem:s24+$0x102B0] =	vst v3  }
0x88: {  	v1 =	vadd.f32 v60, v61;
	[tilespmem:s24+$0x102C0] =	vst v5  }
0x89: {  	v2 =	vadd.f32 v62, v63;
	[tilespmem:s24+$0x102D0] =	vst v0  }
0x8a: {  	p0 =	sgt.u32 s22, $0x4D;
	[tilespmem:s24+$0x102E0] =	vst v1  }
0x8b: {  	s22 =	sadd.s32 @!p0 s1, s23;
	s25 =	simm.s32 @!p0 $0x10280;
	[tilespmem:s24+$0x102F0] =	vst v2;
	s24 =	simm.s32 @!p0 $0x0  }
0x8c: {  	[hbm4b:s22+s24] =	stream.linear.scatter @!p0 [tilespmem:s25], [sflag:$0x3], $0x4000, $0x38;
	[tilespmem:$0x14280] =	vst v63  }
0x8d: {  	s22 =	simm.s32 @!p0 $0x3  }
0x8e: {  	_ =	swait.ge @!p0 [sflag:s22], $0x4000  }
0x8f: {  	[sflag:s22] =	ssyncset.done @!p0 $0x0  }
0x90: {  	[sflag:s22] =	ssyncadd.s32 @!p0 $0xFFFFC000;
	p0 =	sne.s32 s21, $0x4E  }
0x91: {  	s21 =	sadd.s32 @!p0 s1, s23;
	s22 =	simm.s32 @!p0 $0x0;
	s23 =	simm.s32 @!p0 $0x10280  }
0x92: {  	[hbm4b:s21+s22] =	stream.linear.scatter @!p0 [tilespmem:s23], [sflag:$0x2], $0x800, $0x38;
	[tilespmem:$0x14280] =	vst v63  }
.Ltmp6:
0x93: {  	_ = 	snop;
	(pc) =	sbr.rel .LBB2_6-.Ltmp6, $4  }
0x94: {  	s21 =	simm.s32 @!p0 $0x2  }
0x95: {  	_ =	swait.ge @!p0 [sflag:s21], $0x800  }
0x96: {  	[sflag:s21] =	ssyncset.done @!p0 $0x0  }
0x97: {  	[sflag:s21] =	ssyncadd.s32 @!p0 $0xFFFFF800  }
.LBB2_8:
0x98: {  	_ =	sfence.sel $0x180000  }
0x99: {  	[bflag:$0x0] =	sbarrier.arrive $0xFFFF  }
0x9a: {  	p0 =	sne.s32 s5, $0x0;
	_ =	strace $0x9000004A  }
0x9b: {  	s0 =	sadd.s32 @!p0 $0x100000, s0;
	[bflag:$0x2] =	sbarrier.arrive $0xFFFF  }
0x9c: {  	[sflag:s0] =	ssyncadd.tile.s32 @!p0 $0x1;
	_ =	shalt  }
.Lfunc_end2:
_tile_overlayer_lowered:
.L_overlay_start_2:
0x9d: {  	(tag) =	ssettag $0x2  }
0x9e: {  	s0 =	rddreg [dreg:$0x0];
	s2 =	stileid.u32  }
0x9f: {  	s1 =	rddreg [dreg:$0x1];
	p0 =	sne.s32 s2, $0x0  }
0xa0: {  	s3 =	rddreg [dreg:$0x2];
	[bflag:$0x3] =	sbarrier.arrive $0xFFFF;
	s2 =	simm.s32 @!p0 $0x1C02  }
0xa1: {  	[timem:s3], [sflag:s2] =	dma.local @!p0 [hbm:s0], s1  }
0xa2: {  	s0 =	simm.s32 @!p0 $0x2  }
0xa3: {  	_ =	swait.ge @!p0 [sflag:s0], s1  }
0xa4: {  	s1 =	ssub.s32 @!p0 $0x0, s1;
	[sflag:s0] =	ssyncset.done @!p0 $0x0  }
0xa5: {  	[sflag:s0] =	ssyncadd.s32 @!p0 s1  }
0xa6: {  	[bflag:$0x3] =	sbarrier.arrive $0xFFFF  }
0xa7: {  	_ =	shalt  }

</sc_bundles>
